<compile_context>
chip_gen: v7x
topology: tpu7x:2x2x1
jax: 0.10.2.dev20260603
libtpu: 0.0.44.dev20260713+nightly
codegen_flags: <defaults>
</compile_context>

<pallas_src>
import functools

import jax
import jax.numpy as jnp
from jax import lax
from jax.experimental import pallas as pl
from jax.experimental.pallas import tpu as pltpu
from jax.experimental.pallas import tpu_sc as plsc

N = 10000
E = 320000
D = 128

NC = 2
NS = 16
NW = NC * NS

CH = 64
NCHUNKS = E // CH
CPT = 160
KBUF = 4
NPH = 4
PH = CPT // NPH
PADN = 10112
ZROWS = PADN // NS

_sc_mesh = plsc.VectorSubcoreMesh(core_axis_name="c", subcore_axis_name="s")


@functools.partial(
    pl.kernel,
    out_type=jax.ShapeDtypeStruct((NC, PADN, D), jnp.float32),
    mesh=_sc_mesh,
    scratch_types=[
        pltpu.VMEM((PH, CH), jnp.int32),
        pltpu.VMEM((PH, CH), jnp.int32),
        [pltpu.VMEM((CH, D), jnp.float32) for _ in range(KBUF)],
        pltpu.VMEM_SHARED((PADN, D), jnp.float32),
        [pltpu.SemaphoreType.DMA for _ in range(KBUF)],
        pltpu.SemaphoreType.DMA,
    ],
)
def _sc_aggregate(x_hbm, ei_hbm, zeros_hbm, out_hbm,
                  src_v, dst_v, rows, agg_sh, sems, sem_i):
    cid = lax.axis_index("c")
    sid = lax.axis_index("s")
    wid = sid * NC + cid
    start = CPT * wid

    pltpu.sync_copy(zeros_hbm, agg_sh.at[pl.ds(sid * ZROWS, ZROWS)])

    def stage(base):
        pltpu.async_copy(ei_hbm.at[0, pl.ds(base, PH)], src_v, sem_i)
        pltpu.async_copy(ei_hbm.at[1, pl.ds(base, PH)], dst_v, sem_i)
        pltpu.make_async_copy(ei_hbm.at[0, pl.ds(base, PH)], src_v, sem_i).wait()
        pltpu.make_async_copy(ei_hbm.at[1, pl.ds(base, PH)], dst_v, sem_i).wait()

    def ring():
        for j in range(KBUF):
            pltpu.async_copy(x_hbm.at[src_v.at[j]], rows[j], sems[j])

        @pl.loop(0, PH, step=KBUF)
        def _(i):
            for j in range(KBUF):
                c = i + j
                pltpu.make_async_copy(x_hbm.at[src_v.at[c]], rows[j], sems[j]).wait()
                pltpu.sync_copy(rows[j], agg_sh.at[dst_v.at[c]], add=True)

                @pl.when(c + KBUF < PH)
                def _():
                    pltpu.async_copy(x_hbm.at[src_v.at[c + KBUF]], rows[j], sems[j])

    stage(start)
    plsc.subcore_barrier()
    ring()
    for phase in range(1, NPH):
        base = start + phase * PH

        @pl.when(base < NCHUNKS)
        def _(base=base):
            stage(base)
            ring()

    plsc.subcore_barrier()
    pltpu.sync_copy(agg_sh.at[pl.ds(sid * ZROWS, ZROWS)],
                    out_hbm.at[cid, pl.ds(sid * ZROWS, ZROWS)])


BLK = 1000


def _post_body(agg_ref, x_ref, wrel_ref, wroot_ref, b_ref, o_ref):
    acc = agg_ref[0] + agg_ref[1]
    o_ref[...] = jnp.maximum(
        jnp.dot(acc, wrel_ref[...], preferred_element_type=jnp.float32)
        + jnp.dot(x_ref[...], wroot_ref[...], preferred_element_type=jnp.float32)
        + b_ref[...],
        0.0,
    )


_post = pl.pallas_call(
    _post_body,
    grid=(N // BLK,),
    in_specs=[
        pl.BlockSpec((NC, BLK, D), lambda i: (0, i, 0)),
        pl.BlockSpec((BLK, D), lambda i: (i, 0)),
        pl.BlockSpec((D, D), lambda i: (0, 0)),
        pl.BlockSpec((D, D), lambda i: (0, 0)),
        pl.BlockSpec((1, D), lambda i: (0, 0)),
    ],
    out_specs=pl.BlockSpec((BLK, D), lambda i: (i, 0)),
    out_shape=jax.ShapeDtypeStruct((N, D), jnp.float32),
)


@jax.jit
def kernel(x, edge_index, batch, W_rel, W_root, b):
    del batch
    ei = edge_index.reshape(2, NCHUNKS, CH)
    zeros = jnp.zeros((ZROWS, D), jnp.float32)
    aggs = _sc_aggregate(x, ei, zeros)
    return _post(aggs, x, W_rel, W_root, b.reshape(1, D))

# --- scband reference (transcript-rebuilt; emitter-appended) ---
"""Pipeline reference for scband-basic-pool-gnn-75909251989615 (READ-ONLY COPY).

The authoritative reference and input builder live on the scoring server;
editing this copy changes nothing except your own understanding.
"""

import jax, jax.numpy as jnp
import numpy as np

N = 10000   # n_nodes
E = 320000  # n_edges
D = 128     # in_channels == hidden_channels
B = 64      # number of graphs in the batch vector


def setup_inputs(seed: int = 0) -> dict:
    key = jax.random.key(seed)
    k1, k2, k3, k4, k5 = jax.random.split(key, 5)
    x = jax.random.normal(k1, (N, D), dtype=jnp.float32)
    edge_index = jax.random.randint(k2, (2, E), 0, N, dtype=jnp.int32)
    batch = jnp.sort(jax.random.randint(k3, (N,), 0, B, dtype=jnp.int32))
    # GraphConv parameters (concrete conv used to instantiate the abstract stack)
    scale = 1.0 / np.sqrt(D)
    W_rel = jax.random.normal(k4, (D, D), dtype=jnp.float32) * scale
    W_root = jax.random.normal(k5, (D, D), dtype=jnp.float32) * scale
    b = jnp.zeros((D,), dtype=jnp.float32)
    return {"x": x, "edge_index": edge_index, "batch": batch,
            "W_rel": W_rel, "W_root": W_root, "b": b}


def reference(x, edge_index, batch, W_rel, W_root, b):
    # num_layers = 1: single conv -> ReLU -> global_mean_pool recorded -> dropout(p=0) -> return x
    src = edge_index[0]
    dst = edge_index[1]
    # GraphConv with add aggregation: out = aggr(x_j) @ W_rel + x @ W_root + b
    msgs = jnp.take(x, src, axis=0)                 # gather [E, D]
    agg = jax.ops.segment_sum(msgs, dst, num_segments=N)  # scatter-add [N, D]
    h = agg @ W_rel + x @ W_root + b
    # act = ReLU(inplace=True)
    h = jax.nn.relu(h)
    # xs += [global_mean_pool(h, batch)]  (computed per forward; jk='last' returns node feats)
    counts = jax.ops.segment_sum(jnp.ones((N,), dtype=h.dtype), batch, num_segments=B)
    pooled = jax.ops.segment_sum(h, batch, num_segments=B) / jnp.clip(counts, 1.0)[:, None]
    _ = pooled  # not returned since jk is None ('last')
    # dropout with p=0.0 is identity
    return h

if __name__ == "__main__":
    import jax
    _d = setup_inputs()
    print(jax.jit(kernel)(*tuple(_d.values())))

</pallas_src>

<mosaic_0001>
#map = affine_map<(d0, d1) -> (0, 0)>
#map1 = affine_map<(d0, d1) -> (0, 0, 0)>
module attributes {stable_mosaic.version = 14 : i64} {
  func.func @_sc_aggregate(%arg0: i32, %arg1: i32, %arg2: memref<10000x128xf32, #tpu.memory_space<hbm>>, %arg3: memref<2x5000x64xi32, #tpu.memory_space<hbm>>, %arg4: memref<632x128xf32, #tpu.memory_space<hbm>>, %arg5: memref<2x10112x128xf32, #tpu.memory_space<hbm>>, %arg6: memref<40x64xi32, #tpu.memory_space<vmem>>, %arg7: memref<40x64xi32, #tpu.memory_space<vmem>>, %arg8: memref<64x128xf32, #tpu.memory_space<vmem>>, %arg9: memref<64x128xf32, #tpu.memory_space<vmem>>, %arg10: memref<64x128xf32, #tpu.memory_space<vmem>>, %arg11: memref<64x128xf32, #tpu.memory_space<vmem>>, %arg12: memref<10112x128xf32, #tpu.memory_space<vmem_shared>>, %arg13: memref<!tpu.dma_semaphore, #tpu.memory_space<semaphore_mem>>, %arg14: memref<!tpu.dma_semaphore, #tpu.memory_space<semaphore_mem>>, %arg15: memref<!tpu.dma_semaphore, #tpu.memory_space<semaphore_mem>>, %arg16: memref<!tpu.dma_semaphore, #tpu.memory_space<semaphore_mem>>, %arg17: memref<!tpu.dma_semaphore, #tpu.memory_space<semaphore_mem>>) attributes {dimension_semantics = [#tpu.dimension_semantics<core_parallel>, #tpu.dimension_semantics<subcore_parallel>], iteration_bounds = array<i64: 2, 16>, scalar_prefetch = 0 : i64, scratch_operands = 12 : i64, tpu.core_type = #tpu.core_type<sc_vector_subcore>, window_params = [{transform_indices = #map}, {transform_indices = #map1}, {transform_indices = #map}, {transform_indices = #map1}]} {
    %mul3A = arith.constant 2 : i32
    %mul3A_0 = arith.muli %arg1, %mul3A : i32
    %add3A = arith.addi %mul3A_0, %arg0 : i32
    %mul3A_1 = arith.constant 160 : i32
    %mul3A_2 = arith.muli %mul3A_1, %add3A : i32
    %mul3A_3 = arith.constant 632 : i32
    %mul3A_4 = arith.muli %arg1, %mul3A_3 : i32
    "tpu.region"() ({
      %run_scoped3A = tpu.sem_alloc : memref<!tpu.dma_semaphore, #tpu.memory_space<semaphore_mem>>
      %dma_start3A_86 = arith.constant 0 : i32
      %dma_start3A_87 = tpu.memref_slice %arg12[%mul3A_4, %dma_start3A_86] : memref<10112x128xf32, #tpu.memory_space<vmem_shared>> -> memref<632x128xf32, #tpu.memory_space<vmem_shared>>
      tpu.enqueue_dma source(%arg4 : memref<632x128xf32, #tpu.memory_space<hbm>>) target(%dma_start3A_87 : memref<632x128xf32, #tpu.memory_space<vmem_shared>>) target_semaphore(%run_scoped3A : memref<!tpu.dma_semaphore, #tpu.memory_space<semaphore_mem>>)
      %dma_wait3A_88 = arith.constant 0 : i32
      %dma_wait3A_89 = tpu.memref_slice %arg12[%mul3A_4, %dma_wait3A_88] : memref<10112x128xf32, #tpu.memory_space<vmem_shared>> -> memref<632x128xf32, #tpu.memory_space<vmem_shared>>
      tpu.wait_dma2 semaphore(%run_scoped3A : memref<!tpu.dma_semaphore, #tpu.memory_space<semaphore_mem>>) src(%arg4 : memref<632x128xf32, #tpu.memory_space<hbm>>) dst(%dma_wait3A_89 : memref<632x128xf32, #tpu.memory_space<vmem_shared>>)
      tpu.yield
    }) : () -> ()
    %dma_start3A = arith.constant 0 : i32
    %dma_start3A_5 = arith.constant 0 : i32
    %dma_start3A_6 = tpu.memref_slice %arg3[%dma_start3A, %mul3A_2, %dma_start3A_5] : memref<2x5000x64xi32, #tpu.memory_space<hbm>> -> memref<1x40x64xi32, #tpu.memory_space<hbm>>
    %dma_start3A_7 = tpu.memref_squeeze %dma_start3A_6 : memref<1x40x64xi32, #tpu.memory_space<hbm>> -> memref<40x64xi32, #tpu.memory_space<hbm>>
    %dma_start3A_8 = arith.constant 0 : i32
    %dma_start3A_9 = tpu.memref_slice %arg3[%dma_start3A, %mul3A_2, %dma_start3A_8] : memref<2x5000x64xi32, #tpu.memory_space<hbm>> -> memref<1x40x64xi32, #tpu.memory_space<hbm>>
    %dma_start3A_10 = tpu.memref_squeeze %dma_start3A_9 : memref<1x40x64xi32, #tpu.memory_space<hbm>> -> memref<40x64xi32, #tpu.memory_space<hbm>>
    tpu.enqueue_dma source(%dma_start3A_10 : memref<40x64xi32, #tpu.memory_space<hbm>>) target(%arg6 : memref<40x64xi32, #tpu.memory_space<vmem>>) target_semaphore(%arg17 : memref<!tpu.dma_semaphore, #tpu.memory_space<semaphore_mem>>)
    %dma_start3A_11 = arith.constant 1 : i32
    %dma_start3A_12 = arith.constant 0 : i32
    %dma_start3A_13 = tpu.memref_slice %arg3[%dma_start3A_11, %mul3A_2, %dma_start3A_12] : memref<2x5000x64xi32, #tpu.memory_space<hbm>> -> memref<1x40x64xi32, #tpu.memory_space<hbm>>
    %dma_start3A_14 = tpu.memref_squeeze %dma_start3A_13 : memref<1x40x64xi32, #tpu.memory_space<hbm>> -> memref<40x64xi32, #tpu.memory_space<hbm>>
    %dma_start3A_15 = arith.constant 0 : i32
    %dma_start3A_16 = tpu.memref_slice %arg3[%dma_start3A_11, %mul3A_2, %dma_start3A_15] : memref<2x5000x64xi32, #tpu.memory_space<hbm>> -> memref<1x40x64xi32, #tpu.memory_space<hbm>>
    %dma_start3A_17 = tpu.memref_squeeze %dma_start3A_16 : memref<1x40x64xi32, #tpu.memory_space<hbm>> -> memref<40x64xi32, #tpu.memory_space<hbm>>
    tpu.enqueue_dma source(%dma_start3A_17 : memref<40x64xi32, #tpu.memory_space<hbm>>) target(%arg7 : memref<40x64xi32, #tpu.memory_space<vmem>>) target_semaphore(%arg17 : memref<!tpu.dma_semaphore, #tpu.memory_space<semaphore_mem>>)
    %dma_wait3A = arith.constant 0 : i32
    %dma_wait3A_18 = arith.constant 0 : i32
    %dma_wait3A_19 = tpu.memref_slice %arg3[%dma_wait3A, %mul3A_2, %dma_wait3A_18] : memref<2x5000x64xi32, #tpu.memory_space<hbm>> -> memref<1x40x64xi32, #tpu.memory_space<hbm>>
    %dma_wait3A_20 = tpu.memref_squeeze %dma_wait3A_19 : memref<1x40x64xi32, #tpu.memory_space<hbm>> -> memref<40x64xi32, #tpu.memory_space<hbm>>
    %dma_wait3A_21 = arith.constant 0 : i32
    %dma_wait3A_22 = tpu.memref_slice %arg3[%dma_wait3A, %mul3A_2, %dma_wait3A_21] : memref<2x5000x64xi32, #tpu.memory_space<hbm>> -> memref<1x40x64xi32, #tpu.memory_space<hbm>>
    %dma_wait3A_23 = tpu.memref_squeeze %dma_wait3A_22 : memref<1x40x64xi32, #tpu.memory_space<hbm>> -> memref<40x64xi32, #tpu.memory_space<hbm>>
    tpu.wait_dma2 semaphore(%arg17 : memref<!tpu.dma_semaphore, #tpu.memory_space<semaphore_mem>>) src(%dma_wait3A_23 : memref<40x64xi32, #tpu.memory_space<hbm>>) dst(%arg6 : memref<40x64xi32, #tpu.memory_space<vmem>>)
    %dma_wait3A_24 = arith.constant 1 : i32
    %dma_wait3A_25 = arith.constant 0 : i32
    %dma_wait3A_26 = tpu.memref_slice %arg3[%dma_wait3A_24, %mul3A_2, %dma_wait3A_25] : memref<2x5000x64xi32, #tpu.memory_space<hbm>> -> memref<1x40x64xi32, #tpu.memory_space<hbm>>
    %dma_wait3A_27 = tpu.memref_squeeze %dma_wait3A_26 : memref<1x40x64xi32, #tpu.memory_space<hbm>> -> memref<40x64xi32, #tpu.memory_space<hbm>>
    %dma_wait3A_28 = arith.constant 0 : i32
    %dma_wait3A_29 = tpu.memref_slice %arg3[%dma_wait3A_24, %mul3A_2, %dma_wait3A_28] : memref<2x5000x64xi32, #tpu.memory_space<hbm>> -> memref<1x40x64xi32, #tpu.memory_space<hbm>>
    %dma_wait3A_30 = tpu.memref_squeeze %dma_wait3A_29 : memref<1x40x64xi32, #tpu.memory_space<hbm>> -> memref<40x64xi32, #tpu.memory_space<hbm>>
    tpu.wait_dma2 semaphore(%arg17 : memref<!tpu.dma_semaphore, #tpu.memory_space<semaphore_mem>>) src(%dma_wait3A_30 : memref<40x64xi32, #tpu.memory_space<hbm>>) dst(%arg7 : memref<40x64xi32, #tpu.memory_space<vmem>>)
    %barrier3A = arith.constant 0 : index
    tpu.barrier barrier_id(%barrier3A)
    %dma_start3A_31 = arith.constant 0 : i32
    %dma_start3A_32 = arith.constant 0 : i32
    %dma_start3A_33 = tpu.memref_slice %arg6[%dma_start3A_31, %dma_start3A_32] : memref<40x64xi32, #tpu.memory_space<vmem>> -> memref<1x64xi32, #tpu.memory_space<vmem>>
    %dma_start3A_34 = tpu.memref_squeeze %dma_start3A_33 : memref<1x64xi32, #tpu.memory_space<vmem>> -> memref<64xi32, #tpu.memory_space<vmem>>
    %dma_start3A_35 = arith.constant 0 : i32
    %dma_start3A_36 = arith.constant 0 : i32
    %dma_start3A_37 = tpu.memref_slice %arg2[%dma_start3A_35, %dma_start3A_36] : memref<10000x128xf32, #tpu.memory_space<hbm>> -> memref<10000x128xf32, #tpu.memory_space<hbm>>
    tpu.enqueue_indirect_dma source(%dma_start3A_37 : memref<10000x128xf32, #tpu.memory_space<hbm>>) target(%arg8 : memref<64x128xf32, #tpu.memory_space<vmem>>) offsets(%dma_start3A_34 : memref<64xi32, #tpu.memory_space<vmem>>) semaphore(%arg13 : memref<!tpu.dma_semaphore, #tpu.memory_space<semaphore_mem>>)
    %dma_start3A_38 = arith.constant 1 : i32
    %dma_start3A_39 = arith.constant 0 : i32
    %dma_start3A_40 = tpu.memref_slice %arg6[%dma_start3A_38, %dma_start3A_39] : memref<40x64xi32, #tpu.memory_space<vmem>> -> memref<1x64xi32, #tpu.memory_space<vmem>>
    %dma_start3A_41 = tpu.memref_squeeze %dma_start3A_40 : memref<1x64xi32, #tpu.memory_space<vmem>> -> memref<64xi32, #tpu.memory_space<vmem>>
    %dma_start3A_42 = arith.constant 0 : i32
    %dma_start3A_43 = arith.constant 0 : i32
    %dma_start3A_44 = tpu.memref_slice %arg2[%dma_start3A_42, %dma_start3A_43] : memref<10000x128xf32, #tpu.memory_space<hbm>> -> memref<10000x128xf32, #tpu.memory_space<hbm>>
    tpu.enqueue_indirect_dma source(%dma_start3A_44 : memref<10000x128xf32, #tpu.memory_space<hbm>>) target(%arg9 : memref<64x128xf32, #tpu.memory_space<vmem>>) offsets(%dma_start3A_41 : memref<64xi32, #tpu.memory_space<vmem>>) semaphore(%arg14 : memref<!tpu.dma_semaphore, #tpu.memory_space<semaphore_mem>>)
    %dma_start3A_45 = arith.constant 2 : i32
    %dma_start3A_46 = arith.constant 0 : i32
    %dma_start3A_47 = tpu.memref_slice %arg6[%dma_start3A_45, %dma_start3A_46] : memref<40x64xi32, #tpu.memory_space<vmem>> -> memref<1x64xi32, #tpu.memory_space<vmem>>
    %dma_start3A_48 = tpu.memref_squeeze %dma_start3A_47 : memref<1x64xi32, #tpu.memory_space<vmem>> -> memref<64xi32, #tpu.memory_space<vmem>>
    %dma_start3A_49 = arith.constant 0 : i32
    %dma_start3A_50 = arith.constant 0 : i32
    %dma_start3A_51 = tpu.memref_slice %arg2[%dma_start3A_49, %dma_start3A_50] : memref<10000x128xf32, #tpu.memory_space<hbm>> -> memref<10000x128xf32, #tpu.memory_space<hbm>>
    tpu.enqueue_indirect_dma source(%dma_start3A_51 : memref<10000x128xf32, #tpu.memory_space<hbm>>) target(%arg10 : memref<64x128xf32, #tpu.memory_space<vmem>>) offsets(%dma_start3A_48 : memref<64xi32, #tpu.memory_space<vmem>>) semaphore(%arg15 : memref<!tpu.dma_semaphore, #tpu.memory_space<semaphore_mem>>)
    %dma_start3A_52 = arith.constant 3 : i32
    %dma_start3A_53 = arith.constant 0 : i32
    %dma_start3A_54 = tpu.memref_slice %arg6[%dma_start3A_52, %dma_start3A_53] : memref<40x64xi32, #tpu.memory_space<vmem>> -> memref<1x64xi32, #tpu.memory_space<vmem>>
    %dma_start3A_55 = tpu.memref_squeeze %dma_start3A_54 : memref<1x64xi32, #tpu.memory_space<vmem>> -> memref<64xi32, #tpu.memory_space<vmem>>
    %dma_start3A_56 = arith.constant 0 : i32
    %dma_start3A_57 = arith.constant 0 : i32
    %dma_start3A_58 = tpu.memref_slice %arg2[%dma_start3A_56, %dma_start3A_57] : memref<10000x128xf32, #tpu.memory_space<hbm>> -> memref<10000x128xf32, #tpu.memory_space<hbm>>
    tpu.enqueue_indirect_dma source(%dma_start3A_58 : memref<10000x128xf32, #tpu.memory_space<hbm>>) target(%arg11 : memref<64x128xf32, #tpu.memory_space<vmem>>) offsets(%dma_start3A_55 : memref<64xi32, #tpu.memory_space<vmem>>) semaphore(%arg16 : memref<!tpu.dma_semaphore, #tpu.memory_space<semaphore_mem>>)
    %scan3A = arith.constant 0 : i32
    %scan3A_59 = arith.constant 10 : i32
    %scan3A_60 = arith.addi %scan3A, %scan3A_59 : i32
    %scan3A_61 = arith.constant 1 : i32
    scf.for %scan3A_86 = %scan3A to %scan3A_60 step %scan3A_61  : i32 {
      %mul3A_87 = arith.constant 4 : i32
      %mul3A_88 = arith.muli %scan3A_86, %mul3A_87 : i32
      %add3A_89 = arith.constant 0 : i32
      %add3A_90 = arith.addi %add3A_89, %mul3A_88 : i32
      %add3A_91 = arith.constant 0 : i32
      %add3A_92 = arith.addi %add3A_90, %add3A_91 : i32
      %dma_wait3A_93 = arith.constant 0 : i32
      %dma_wait3A_94 = tpu.memref_slice %arg6[%add3A_92, %dma_wait3A_93] : memref<40x64xi32, #tpu.memory_space<vmem>> -> memref<1x64xi32, #tpu.memory_space<vmem>>
      %dma_wait3A_95 = tpu.memref_squeeze %dma_wait3A_94 : memref<1x64xi32, #tpu.memory_space<vmem>> -> memref<64xi32, #tpu.memory_space<vmem>>
      %dma_wait3A_96 = arith.constant 0 : i32
      %dma_wait3A_97 = arith.constant 0 : i32
      %dma_wait3A_98 = tpu.memref_slice %arg2[%dma_wait3A_96, %dma_wait3A_97] : memref<10000x128xf32, #tpu.memory_space<hbm>> -> memref<10000x128xf32, #tpu.memory_space<hbm>>
      tpu.wait_indirect_dma semaphore(%arg13 : memref<!tpu.dma_semaphore, #tpu.memory_space<semaphore_mem>>) src(%dma_wait3A_98 : memref<10000x128xf32, #tpu.memory_space<hbm>>) dst(%arg8 : memref<64x128xf32, #tpu.memory_space<vmem>>)
      "tpu.region"() ({
        %run_scoped3A = tpu.sem_alloc : memref<!tpu.dma_semaphore, #tpu.memory_space<semaphore_mem>>
        %dma_start3A_151 = arith.constant 0 : i32
        %dma_start3A_152 = tpu.memref_slice %arg7[%add3A_92, %dma_start3A_151] : memref<40x64xi32, #tpu.memory_space<vmem>> -> memref<1x64xi32, #tpu.memory_space<vmem>>
        %dma_start3A_153 = tpu.memref_squeeze %dma_start3A_152 : memref<1x64xi32, #tpu.memory_space<vmem>> -> memref<64xi32, #tpu.memory_space<vmem>>
        %dma_start3A_154 = arith.constant 0 : i32
        %dma_start3A_155 = arith.constant 0 : i32
        %dma_start3A_156 = tpu.memref_slice %arg12[%dma_start3A_154, %dma_start3A_155] : memref<10112x128xf32, #tpu.memory_space<vmem_shared>> -> memref<10112x128xf32, #tpu.memory_space<vmem_shared>>
        tpu.enqueue_indirect_dma source(%arg8 : memref<64x128xf32, #tpu.memory_space<vmem>>) target(%dma_start3A_156 : memref<10112x128xf32, #tpu.memory_space<vmem_shared>>) offsets(%dma_start3A_153 : memref<64xi32, #tpu.memory_space<vmem>>) semaphore(%run_scoped3A : memref<!tpu.dma_semaphore, #tpu.memory_space<semaphore_mem>>) {add = true}
        %dma_wait3A_157 = arith.constant 0 : i32
        %dma_wait3A_158 = tpu.memref_slice %arg7[%add3A_92, %dma_wait3A_157] : memref<40x64xi32, #tpu.memory_space<vmem>> -> memref<1x64xi32, #tpu.memory_space<vmem>>
        %dma_wait3A_159 = tpu.memref_squeeze %dma_wait3A_158 : memref<1x64xi32, #tpu.memory_space<vmem>> -> memref<64xi32, #tpu.memory_space<vmem>>
        %dma_wait3A_160 = arith.constant 0 : i32
        %dma_wait3A_161 = arith.constant 0 : i32
        %dma_wait3A_162 = tpu.memref_slice %arg12[%dma_wait3A_160, %dma_wait3A_161] : memref<10112x128xf32, #tpu.memory_space<vmem_shared>> -> memref<10112x128xf32, #tpu.memory_space<vmem_shared>>
        tpu.wait_indirect_dma semaphore(%run_scoped3A : memref<!tpu.dma_semaphore, #tpu.memory_space<semaphore_mem>>) src(%arg8 : memref<64x128xf32, #tpu.memory_space<vmem>>) dst(%dma_wait3A_162 : memref<10112x128xf32, #tpu.memory_space<vmem_shared>>)
        tpu.yield
      }) : () -> ()
      %add3A_99 = arith.constant 4 : i32
      %add3A_100 = arith.addi %add3A_92, %add3A_99 : i32
      %lt3A_101 = arith.constant 40 : i32
      %lt3A_102 = arith.cmpi slt, %add3A_100, %lt3A_101 : i32
      %convert_element_type3A_103 = arith.extui %lt3A_102 : i1 to i32
      %cond3A_104 = arith.constant 0 : i32
      %cond3A_105 = arith.cmpi ne, %convert_element_type3A_103, %cond3A_104 : i32
      scf.if %cond3A_105 {
        %add3A_151 = arith.constant 4 : i32
        %add3A_152 = arith.addi %add3A_92, %add3A_151 : i32
        %dma_start3A_153 = arith.constant 0 : i32
        %dma_start3A_154 = tpu.memref_slice %arg6[%add3A_152, %dma_start3A_153] : memref<40x64xi32, #tpu.memory_space<vmem>> -> memref<1x64xi32, #tpu.memory_space<vmem>>
        %dma_start3A_155 = tpu.memref_squeeze %dma_start3A_154 : memref<1x64xi32, #tpu.memory_space<vmem>> -> memref<64xi32, #tpu.memory_space<vmem>>
        %dma_start3A_156 = arith.constant 0 : i32
        %dma_start3A_157 = arith.constant 0 : i32
        %dma_start3A_158 = tpu.memref_slice %arg2[%dma_start3A_156, %dma_start3A_157] : memref<10000x128xf32, #tpu.memory_space<hbm>> -> memref<10000x128xf32, #tpu.memory_space<hbm>>
        tpu.enqueue_indirect_dma source(%dma_start3A_158 : memref<10000x128xf32, #tpu.memory_space<hbm>>) target(%arg8 : memref<64x128xf32, #tpu.memory_space<vmem>>) offsets(%dma_start3A_155 : memref<64xi32, #tpu.memory_space<vmem>>) semaphore(%arg13 : memref<!tpu.dma_semaphore, #tpu.memory_space<semaphore_mem>>)
      } else {
      }
      %add3A_106 = arith.constant 1 : i32
      %add3A_107 = arith.addi %add3A_90, %add3A_106 : i32
      %dma_wait3A_108 = arith.constant 0 : i32
      %dma_wait3A_109 = tpu.memref_slice %arg6[%add3A_107, %dma_wait3A_108] : memref<40x64xi32, #tpu.memory_space<vmem>> -> memref<1x64xi32, #tpu.memory_space<vmem>>
      %dma_wait3A_110 = tpu.memref_squeeze %dma_wait3A_109 : memref<1x64xi32, #tpu.memory_space<vmem>> -> memref<64xi32, #tpu.memory_space<vmem>>
      %dma_wait3A_111 = arith.constant 0 : i32
      %dma_wait3A_112 = arith.constant 0 : i32
      %dma_wait3A_113 = tpu.memref_slice %arg2[%dma_wait3A_111, %dma_wait3A_112] : memref<10000x128xf32, #tpu.memory_space<hbm>> -> memref<10000x128xf32, #tpu.memory_space<hbm>>
      tpu.wait_indirect_dma semaphore(%arg14 : memref<!tpu.dma_semaphore, #tpu.memory_space<semaphore_mem>>) src(%dma_wait3A_113 : memref<10000x128xf32, #tpu.memory_space<hbm>>) dst(%arg9 : memref<64x128xf32, #tpu.memory_space<vmem>>)
      "tpu.region"() ({
        %run_scoped3A = tpu.sem_alloc : memref<!tpu.dma_semaphore, #tpu.memory_space<semaphore_mem>>
        %dma_start3A_151 = arith.constant 0 : i32
        %dma_start3A_152 = tpu.memref_slice %arg7[%add3A_107, %dma_start3A_151] : memref<40x64xi32, #tpu.memory_space<vmem>> -> memref<1x64xi32, #tpu.memory_space<vmem>>
        %dma_start3A_153 = tpu.memref_squeeze %dma_start3A_152 : memref<1x64xi32, #tpu.memory_space<vmem>> -> memref<64xi32, #tpu.memory_space<vmem>>
        %dma_start3A_154 = arith.constant 0 : i32
        %dma_start3A_155 = arith.constant 0 : i32
        %dma_start3A_156 = tpu.memref_slice %arg12[%dma_start3A_154, %dma_start3A_155] : memref<10112x128xf32, #tpu.memory_space<vmem_shared>> -> memref<10112x128xf32, #tpu.memory_space<vmem_shared>>
        tpu.enqueue_indirect_dma source(%arg9 : memref<64x128xf32, #tpu.memory_space<vmem>>) target(%dma_start3A_156 : memref<10112x128xf32, #tpu.memory_space<vmem_shared>>) offsets(%dma_start3A_153 : memref<64xi32, #tpu.memory_space<vmem>>) semaphore(%run_scoped3A : memref<!tpu.dma_semaphore, #tpu.memory_space<semaphore_mem>>) {add = true}
        %dma_wait3A_157 = arith.constant 0 : i32
        %dma_wait3A_158 = tpu.memref_slice %arg7[%add3A_107, %dma_wait3A_157] : memref<40x64xi32, #tpu.memory_space<vmem>> -> memref<1x64xi32, #tpu.memory_space<vmem>>
        %dma_wait3A_159 = tpu.memref_squeeze %dma_wait3A_158 : memref<1x64xi32, #tpu.memory_space<vmem>> -> memref<64xi32, #tpu.memory_space<vmem>>
        %dma_wait3A_160 = arith.constant 0 : i32
        %dma_wait3A_161 = arith.constant 0 : i32
        %dma_wait3A_162 = tpu.memref_slice %arg12[%dma_wait3A_160, %dma_wait3A_161] : memref<10112x128xf32, #tpu.memory_space<vmem_shared>> -> memref<10112x128xf32, #tpu.memory_space<vmem_shared>>
        tpu.wait_indirect_dma semaphore(%run_scoped3A : memref<!tpu.dma_semaphore, #tpu.memory_space<semaphore_mem>>) src(%arg9 : memref<64x128xf32, #tpu.memory_space<vmem>>) dst(%dma_wait3A_162 : memref<10112x128xf32, #tpu.memory_space<vmem_shared>>)
        tpu.yield
      }) : () -> ()
      %add3A_114 = arith.constant 4 : i32
      %add3A_115 = arith.addi %add3A_107, %add3A_114 : i32
      %lt3A_116 = arith.constant 40 : i32
      %lt3A_117 = arith.cmpi slt, %add3A_115, %lt3A_116 : i32
      %convert_element_type3A_118 = arith.extui %lt3A_117 : i1 to i32
      %cond3A_119 = arith.constant 0 : i32
      %cond3A_120 = arith.cmpi ne, %convert_element_type3A_118, %cond3A_119 : i32
      scf.if %cond3A_120 {
        %add3A_151 = arith.constant 4 : i32
        %add3A_152 = arith.addi %add3A_107, %add3A_151 : i32
        %dma_start3A_153 = arith.constant 0 : i32
        %dma_start3A_154 = tpu.memref_slice %arg6[%add3A_152, %dma_start3A_153] : memref<40x64xi32, #tpu.memory_space<vmem>> -> memref<1x64xi32, #tpu.memory_space<vmem>>
        %dma_start3A_155 = tpu.memref_squeeze %dma_start3A_154 : memref<1x64xi32, #tpu.memory_space<vmem>> -> memref<64xi32, #tpu.memory_space<vmem>>
        %dma_start3A_156 = arith.constant 0 : i32
        %dma_start3A_157 = arith.constant 0 : i32
        %dma_start3A_158 = tpu.memref_slice %arg2[%dma_start3A_156, %dma_start3A_157] : memref<10000x128xf32, #tpu.memory_space<hbm>> -> memref<10000x128xf32, #tpu.memory_space<hbm>>
        tpu.enqueue_indirect_dma source(%dma_start3A_158 : memref<10000x128xf32, #tpu.memory_space<hbm>>) target(%arg9 : memref<64x128xf32, #tpu.memory_space<vmem>>) offsets(%dma_start3A_155 : memref<64xi32, #tpu.memory_space<vmem>>) semaphore(%arg14 : memref<!tpu.dma_semaphore, #tpu.memory_space<semaphore_mem>>)
      } else {
      }
      %add3A_121 = arith.constant 2 : i32
      %add3A_122 = arith.addi %add3A_90, %add3A_121 : i32
      %dma_wait3A_123 = arith.constant 0 : i32
      %dma_wait3A_124 = tpu.memref_slice %arg6[%add3A_122, %dma_wait3A_123] : memref<40x64xi32, #tpu.memory_space<vmem>> -> memref<1x64xi32, #tpu.memory_space<vmem>>
      %dma_wait3A_125 = tpu.memref_squeeze %dma_wait3A_124 : memref<1x64xi32, #tpu.memory_space<vmem>> -> memref<64xi32, #tpu.memory_space<vmem>>
      %dma_wait3A_126 = arith.constant 0 : i32
      %dma_wait3A_127 = arith.constant 0 : i32
      %dma_wait3A_128 = tpu.memref_slice %arg2[%dma_wait3A_126, %dma_wait3A_127] : memref<10000x128xf32, #tpu.memory_space<hbm>> -> memref<10000x128xf32, #tpu.memory_space<hbm>>
      tpu.wait_indirect_dma semaphore(%arg15 : memref<!tpu.dma_semaphore, #tpu.memory_space<semaphore_mem>>) src(%dma_wait3A_128 : memref<10000x128xf32, #tpu.memory_space<hbm>>) dst(%arg10 : memref<64x128xf32, #tpu.memory_space<vmem>>)
      "tpu.region"() ({
        %run_scoped3A = tpu.sem_alloc : memref<!tpu.dma_semaphore, #tpu.memory_space<semaphore_mem>>
        %dma_start3A_151 = arith.constant 0 : i32
        %dma_start3A_152 = tpu.memref_slice %arg7[%add3A_122, %dma_start3A_151] : memref<40x64xi32, #tpu.memory_space<vmem>> -> memref<1x64xi32, #tpu.memory_space<vmem>>
        %dma_start3A_153 = tpu.memref_squeeze %dma_start3A_152 : memref<1x64xi32, #tpu.memory_space<vmem>> -> memref<64xi32, #tpu.memory_space<vmem>>
        %dma_start3A_154 = arith.constant 0 : i32
        %dma_start3A_155 = arith.constant 0 : i32
        %dma_start3A_156 = tpu.memref_slice %arg12[%dma_start3A_154, %dma_start3A_155] : memref<10112x128xf32, #tpu.memory_space<vmem_shared>> -> memref<10112x128xf32, #tpu.memory_space<vmem_shared>>
        tpu.enqueue_indirect_dma source(%arg10 : memref<64x128xf32, #tpu.memory_space<vmem>>) target(%dma_start3A_156 : memref<10112x128xf32, #tpu.memory_space<vmem_shared>>) offsets(%dma_start3A_153 : memref<64xi32, #tpu.memory_space<vmem>>) semaphore(%run_scoped3A : memref<!tpu.dma_semaphore, #tpu.memory_space<semaphore_mem>>) {add = true}
        %dma_wait3A_157 = arith.constant 0 : i32
        %dma_wait3A_158 = tpu.memref_slice %arg7[%add3A_122, %dma_wait3A_157] : memref<40x64xi32, #tpu.memory_space<vmem>> -> memref<1x64xi32, #tpu.memory_space<vmem>>
        %dma_wait3A_159 = tpu.memref_squeeze %dma_wait3A_158 : memref<1x64xi32, #tpu.memory_space<vmem>> -> memref<64xi32, #tpu.memory_space<vmem>>
        %dma_wait3A_160 = arith.constant 0 : i32
        %dma_wait3A_161 = arith.constant 0 : i32
        %dma_wait3A_162 = tpu.memref_slice %arg12[%dma_wait3A_160, %dma_wait3A_161] : memref<10112x128xf32, #tpu.memory_space<vmem_shared>> -> memref<10112x128xf32, #tpu.memory_space<vmem_shared>>
        tpu.wait_indirect_dma semaphore(%run_scoped3A : memref<!tpu.dma_semaphore, #tpu.memory_space<semaphore_mem>>) src(%arg10 : memref<64x128xf32, #tpu.memory_space<vmem>>) dst(%dma_wait3A_162 : memref<10112x128xf32, #tpu.memory_space<vmem_shared>>)
        tpu.yield
      }) : () -> ()
      %add3A_129 = arith.constant 4 : i32
      %add3A_130 = arith.addi %add3A_122, %add3A_129 : i32
      %lt3A_131 = arith.constant 40 : i32
      %lt3A_132 = arith.cmpi slt, %add3A_130, %lt3A_131 : i32
      %convert_element_type3A_133 = arith.extui %lt3A_132 : i1 to i32
      %cond3A_134 = arith.constant 0 : i32
      %cond3A_135 = arith.cmpi ne, %convert_element_type3A_133, %cond3A_134 : i32
      scf.if %cond3A_135 {
        %add3A_151 = arith.constant 4 : i32
        %add3A_152 = arith.addi %add3A_122, %add3A_151 : i32
        %dma_start3A_153 = arith.constant 0 : i32
        %dma_start3A_154 = tpu.memref_slice %arg6[%add3A_152, %dma_start3A_153] : memref<40x64xi32, #tpu.memory_space<vmem>> -> memref<1x64xi32, #tpu.memory_space<vmem>>
        %dma_start3A_155 = tpu.memref_squeeze %dma_start3A_154 : memref<1x64xi32, #tpu.memory_space<vmem>> -> memref<64xi32, #tpu.memory_space<vmem>>
        %dma_start3A_156 = arith.constant 0 : i32
        %dma_start3A_157 = arith.constant 0 : i32
        %dma_start3A_158 = tpu.memref_slice %arg2[%dma_start3A_156, %dma_start3A_157] : memref<10000x128xf32, #tpu.memory_space<hbm>> -> memref<10000x128xf32, #tpu.memory_space<hbm>>
        tpu.enqueue_indirect_dma source(%dma_start3A_158 : memref<10000x128xf32, #tpu.memory_space<hbm>>) target(%arg10 : memref<64x128xf32, #tpu.memory_space<vmem>>) offsets(%dma_start3A_155 : memref<64xi32, #tpu.memory_space<vmem>>) semaphore(%arg15 : memref<!tpu.dma_semaphore, #tpu.memory_space<semaphore_mem>>)
      } else {
      }
      %add3A_136 = arith.constant 3 : i32
      %add3A_137 = arith.addi %add3A_90, %add3A_136 : i32
      %dma_wait3A_138 = arith.constant 0 : i32
      %dma_wait3A_139 = tpu.memref_slice %arg6[%add3A_137, %dma_wait3A_138] : memref<40x64xi32, #tpu.memory_space<vmem>> -> memref<1x64xi32, #tpu.memory_space<vmem>>
      %dma_wait3A_140 = tpu.memref_squeeze %dma_wait3A_139 : memref<1x64xi32, #tpu.memory_space<vmem>> -> memref<64xi32, #tpu.memory_space<vmem>>
      %dma_wait3A_141 = arith.constant 0 : i32
      %dma_wait3A_142 = arith.constant 0 : i32
      %dma_wait3A_143 = tpu.memref_slice %arg2[%dma_wait3A_141, %dma_wait3A_142] : memref<10000x128xf32, #tpu.memory_space<hbm>> -> memref<10000x128xf32, #tpu.memory_space<hbm>>
      tpu.wait_indirect_dma semaphore(%arg16 : memref<!tpu.dma_semaphore, #tpu.memory_space<semaphore_mem>>) src(%dma_wait3A_143 : memref<10000x128xf32, #tpu.memory_space<hbm>>) dst(%arg11 : memref<64x128xf32, #tpu.memory_space<vmem>>)
      "tpu.region"() ({
        %run_scoped3A = tpu.sem_alloc : memref<!tpu.dma_semaphore, #tpu.memory_space<semaphore_mem>>
        %dma_start3A_151 = arith.constant 0 : i32
        %dma_start3A_152 = tpu.memref_slice %arg7[%add3A_137, %dma_start3A_151] : memref<40x64xi32, #tpu.memory_space<vmem>> -> memref<1x64xi32, #tpu.memory_space<vmem>>
        %dma_start3A_153 = tpu.memref_squeeze %dma_start3A_152 : memref<1x64xi32, #tpu.memory_space<vmem>> -> memref<64xi32, #tpu.memory_space<vmem>>
        %dma_start3A_154 = arith.constant 0 : i32
        %dma_start3A_155 = arith.constant 0 : i32
        %dma_start3A_156 = tpu.memref_slice %arg12[%dma_start3A_154, %dma_start3A_155] : memref<10112x128xf32, #tpu.memory_space<vmem_shared>> -> memref<10112x128xf32, #tpu.memory_space<vmem_shared>>
        tpu.enqueue_indirect_dma source(%arg11 : memref<64x128xf32, #tpu.memory_space<vmem>>) target(%dma_start3A_156 : memref<10112x128xf32, #tpu.memory_space<vmem_shared>>) offsets(%dma_start3A_153 : memref<64xi32, #tpu.memory_space<vmem>>) semaphore(%run_scoped3A : memref<!tpu.dma_semaphore, #tpu.memory_space<semaphore_mem>>) {add = true}
        %dma_wait3A_157 = arith.constant 0 : i32
        %dma_wait3A_158 = tpu.memref_slice %arg7[%add3A_137, %dma_wait3A_157] : memref<40x64xi32, #tpu.memory_space<vmem>> -> memref<1x64xi32, #tpu.memory_space<vmem>>
        %dma_wait3A_159 = tpu.memref_squeeze %dma_wait3A_158 : memref<1x64xi32, #tpu.memory_space<vmem>> -> memref<64xi32, #tpu.memory_space<vmem>>
        %dma_wait3A_160 = arith.constant 0 : i32
        %dma_wait3A_161 = arith.constant 0 : i32
        %dma_wait3A_162 = tpu.memref_slice %arg12[%dma_wait3A_160, %dma_wait3A_161] : memref<10112x128xf32, #tpu.memory_space<vmem_shared>> -> memref<10112x128xf32, #tpu.memory_space<vmem_shared>>
        tpu.wait_indirect_dma semaphore(%run_scoped3A : memref<!tpu.dma_semaphore, #tpu.memory_space<semaphore_mem>>) src(%arg11 : memref<64x128xf32, #tpu.memory_space<vmem>>) dst(%dma_wait3A_162 : memref<10112x128xf32, #tpu.memory_space<vmem_shared>>)
        tpu.yield
      }) : () -> ()
      %add3A_144 = arith.constant 4 : i32
      %add3A_145 = arith.addi %add3A_137, %add3A_144 : i32
      %lt3A_146 = arith.constant 40 : i32
      %lt3A_147 = arith.cmpi slt, %add3A_145, %lt3A_146 : i32
      %convert_element_type3A_148 = arith.extui %lt3A_147 : i1 to i32
      %cond3A_149 = arith.constant 0 : i32
      %cond3A_150 = arith.cmpi ne, %convert_element_type3A_148, %cond3A_149 : i32
      scf.if %cond3A_150 {
        %add3A_151 = arith.constant 4 : i32
        %add3A_152 = arith.addi %add3A_137, %add3A_151 : i32
        %dma_start3A_153 = arith.constant 0 : i32
        %dma_start3A_154 = tpu.memref_slice %arg6[%add3A_152, %dma_start3A_153] : memref<40x64xi32, #tpu.memory_space<vmem>> -> memref<1x64xi32, #tpu.memory_space<vmem>>
        %dma_start3A_155 = tpu.memref_squeeze %dma_start3A_154 : memref<1x64xi32, #tpu.memory_space<vmem>> -> memref<64xi32, #tpu.memory_space<vmem>>
        %dma_start3A_156 = arith.constant 0 : i32
        %dma_start3A_157 = arith.constant 0 : i32
        %dma_start3A_158 = tpu.memref_slice %arg2[%dma_start3A_156, %dma_start3A_157] : memref<10000x128xf32, #tpu.memory_space<hbm>> -> memref<10000x128xf32, #tpu.memory_space<hbm>>
        tpu.enqueue_indirect_dma source(%dma_start3A_158 : memref<10000x128xf32, #tpu.memory_space<hbm>>) target(%arg11 : memref<64x128xf32, #tpu.memory_space<vmem>>) offsets(%dma_start3A_155 : memref<64xi32, #tpu.memory_space<vmem>>) semaphore(%arg16 : memref<!tpu.dma_semaphore, #tpu.memory_space<semaphore_mem>>)
      } else {
      }
    }
    %scan3A_62 = arith.constant 10 : i32
    %add3A_63 = arith.constant 40 : i32
    %add3A_64 = arith.addi %mul3A_2, %add3A_63 : i32
    %lt3A = arith.constant 5000 : i32
    %lt3A_65 = arith.cmpi slt, %add3A_64, %lt3A : i32
    %convert_element_type3A = arith.extui %lt3A_65 : i1 to i32
    %cond3A = arith.constant 0 : i32
    %cond3A_66 = arith.cmpi ne, %convert_element_type3A, %cond3A : i32
    scf.if %cond3A_66 {
      %dma_start3A_86 = arith.constant 0 : i32
      %dma_start3A_87 = arith.constant 0 : i32
      %dma_start3A_88 = tpu.memref_slice %arg3[%dma_start3A_86, %add3A_64, %dma_start3A_87] : memref<2x5000x64xi32, #tpu.memory_space<hbm>> -> memref<1x40x64xi32, #tpu.memory_space<hbm>>
      %dma_start3A_89 = tpu.memref_squeeze %dma_start3A_88 : memref<1x40x64xi32, #tpu.memory_space<hbm>> -> memref<40x64xi32, #tpu.memory_space<hbm>>
      %dma_start3A_90 = arith.constant 0 : i32
      %dma_start3A_91 = tpu.memref_slice %arg3[%dma_start3A_86, %add3A_64, %dma_start3A_90] : memref<2x5000x64xi32, #tpu.memory_space<hbm>> -> memref<1x40x64xi32, #tpu.memory_space<hbm>>
      %dma_start3A_92 = tpu.memref_squeeze %dma_start3A_91 : memref<1x40x64xi32, #tpu.memory_space<hbm>> -> memref<40x64xi32, #tpu.memory_space<hbm>>
      tpu.enqueue_dma source(%dma_start3A_92 : memref<40x64xi32, #tpu.memory_space<hbm>>) target(%arg6 : memref<40x64xi32, #tpu.memory_space<vmem>>) target_semaphore(%arg17 : memref<!tpu.dma_semaphore, #tpu.memory_space<semaphore_mem>>)
      %dma_start3A_93 = arith.constant 1 : i32
      %dma_start3A_94 = arith.constant 0 : i32
      %dma_start3A_95 = tpu.memref_slice %arg3[%dma_start3A_93, %add3A_64, %dma_start3A_94] : memref<2x5000x64xi32, #tpu.memory_space<hbm>> -> memref<1x40x64xi32, #tpu.memory_space<hbm>>
      %dma_start3A_96 = tpu.memref_squeeze %dma_start3A_95 : memref<1x40x64xi32, #tpu.memory_space<hbm>> -> memref<40x64xi32, #tpu.memory_space<hbm>>
      %dma_start3A_97 = arith.constant 0 : i32
      %dma_start3A_98 = tpu.memref_slice %arg3[%dma_start3A_93, %add3A_64, %dma_start3A_97] : memref<2x5000x64xi32, #tpu.memory_space<hbm>> -> memref<1x40x64xi32, #tpu.memory_space<hbm>>
      %dma_start3A_99 = tpu.memref_squeeze %dma_start3A_98 : memref<1x40x64xi32, #tpu.memory_space<hbm>> -> memref<40x64xi32, #tpu.memory_space<hbm>>
      tpu.enqueue_dma source(%dma_start3A_99 : memref<40x64xi32, #tpu.memory_space<hbm>>) target(%arg7 : memref<40x64xi32, #tpu.memory_space<vmem>>) target_semaphore(%arg17 : memref<!tpu.dma_semaphore, #tpu.memory_space<semaphore_mem>>)
      %dma_wait3A_100 = arith.constant 0 : i32
      %dma_wait3A_101 = arith.constant 0 : i32
      %dma_wait3A_102 = tpu.memref_slice %arg3[%dma_wait3A_100, %add3A_64, %dma_wait3A_101] : memref<2x5000x64xi32, #tpu.memory_space<hbm>> -> memref<1x40x64xi32, #tpu.memory_space<hbm>>
      %dma_wait3A_103 = tpu.memref_squeeze %dma_wait3A_102 : memref<1x40x64xi32, #tpu.memory_space<hbm>> -> memref<40x64xi32, #tpu.memory_space<hbm>>
      %dma_wait3A_104 = arith.constant 0 : i32
      %dma_wait3A_105 = tpu.memref_slice %arg3[%dma_wait3A_100, %add3A_64, %dma_wait3A_104] : memref<2x5000x64xi32, #tpu.memory_space<hbm>> -> memref<1x40x64xi32, #tpu.memory_space<hbm>>
      %dma_wait3A_106 = tpu.memref_squeeze %dma_wait3A_105 : memref<1x40x64xi32, #tpu.memory_space<hbm>> -> memref<40x64xi32, #tpu.memory_space<hbm>>
      tpu.wait_dma2 semaphore(%arg17 : memref<!tpu.dma_semaphore, #tpu.memory_space<semaphore_mem>>) src(%dma_wait3A_106 : memref<40x64xi32, #tpu.memory_space<hbm>>) dst(%arg6 : memref<40x64xi32, #tpu.memory_space<vmem>>)
      %dma_wait3A_107 = arith.constant 1 : i32
      %dma_wait3A_108 = arith.constant 0 : i32
      %dma_wait3A_109 = tpu.memref_slice %arg3[%dma_wait3A_107, %add3A_64, %dma_wait3A_108] : memref<2x5000x64xi32, #tpu.memory_space<hbm>> -> memref<1x40x64xi32, #tpu.memory_space<hbm>>
      %dma_wait3A_110 = tpu.memref_squeeze %dma_wait3A_109 : memref<1x40x64xi32, #tpu.memory_space<hbm>> -> memref<40x64xi32, #tpu.memory_space<hbm>>
      %dma_wait3A_111 = arith.constant 0 : i32
      %dma_wait3A_112 = tpu.memref_slice %arg3[%dma_wait3A_107, %add3A_64, %dma_wait3A_111] : memref<2x5000x64xi32, #tpu.memory_space<hbm>> -> memref<1x40x64xi32, #tpu.memory_space<hbm>>
      %dma_wait3A_113 = tpu.memref_squeeze %dma_wait3A_112 : memref<1x40x64xi32, #tpu.memory_space<hbm>> -> memref<40x64xi32, #tpu.memory_space<hbm>>
      tpu.wait_dma2 semaphore(%arg17 : memref<!tpu.dma_semaphore, #tpu.memory_space<semaphore_mem>>) src(%dma_wait3A_113 : memref<40x64xi32, #tpu.memory_space<hbm>>) dst(%arg7 : memref<40x64xi32, #tpu.memory_space<vmem>>)
      %dma_start3A_114 = arith.constant 0 : i32
      %dma_start3A_115 = arith.constant 0 : i32
      %dma_start3A_116 = tpu.memref_slice %arg6[%dma_start3A_114, %dma_start3A_115] : memref<40x64xi32, #tpu.memory_space<vmem>> -> memref<1x64xi32, #tpu.memory_space<vmem>>
      %dma_start3A_117 = tpu.memref_squeeze %dma_start3A_116 : memref<1x64xi32, #tpu.memory_space<vmem>> -> memref<64xi32, #tpu.memory_space<vmem>>
      %dma_start3A_118 = arith.constant 0 : i32
      %dma_start3A_119 = arith.constant 0 : i32
      %dma_start3A_120 = tpu.memref_slice %arg2[%dma_start3A_118, %dma_start3A_119] : memref<10000x128xf32, #tpu.memory_space<hbm>> -> memref<10000x128xf32, #tpu.memory_space<hbm>>
      tpu.enqueue_indirect_dma source(%dma_start3A_120 : memref<10000x128xf32, #tpu.memory_space<hbm>>) target(%arg8 : memref<64x128xf32, #tpu.memory_space<vmem>>) offsets(%dma_start3A_117 : memref<64xi32, #tpu.memory_space<vmem>>) semaphore(%arg13 : memref<!tpu.dma_semaphore, #tpu.memory_space<semaphore_mem>>)
      %dma_start3A_121 = arith.constant 1 : i32
      %dma_start3A_122 = arith.constant 0 : i32
      %dma_start3A_123 = tpu.memref_slice %arg6[%dma_start3A_121, %dma_start3A_122] : memref<40x64xi32, #tpu.memory_space<vmem>> -> memref<1x64xi32, #tpu.memory_space<vmem>>
      %dma_start3A_124 = tpu.memref_squeeze %dma_start3A_123 : memref<1x64xi32, #tpu.memory_space<vmem>> -> memref<64xi32, #tpu.memory_space<vmem>>
      %dma_start3A_125 = arith.constant 0 : i32
      %dma_start3A_126 = arith.constant 0 : i32
      %dma_start3A_127 = tpu.memref_slice %arg2[%dma_start3A_125, %dma_start3A_126] : memref<10000x128xf32, #tpu.memory_space<hbm>> -> memref<10000x128xf32, #tpu.memory_space<hbm>>
      tpu.enqueue_indirect_dma source(%dma_start3A_127 : memref<10000x128xf32, #tpu.memory_space<hbm>>) target(%arg9 : memref<64x128xf32, #tpu.memory_space<vmem>>) offsets(%dma_start3A_124 : memref<64xi32, #tpu.memory_space<vmem>>) semaphore(%arg14 : memref<!tpu.dma_semaphore, #tpu.memory_space<semaphore_mem>>)
      %dma_start3A_128 = arith.constant 2 : i32
      %dma_start3A_129 = arith.constant 0 : i32
      %dma_start3A_130 = tpu.memref_slice %arg6[%dma_start3A_128, %dma_start3A_129] : memref<40x64xi32, #tpu.memory_space<vmem>> -> memref<1x64xi32, #tpu.memory_space<vmem>>
      %dma_start3A_131 = tpu.memref_squeeze %dma_start3A_130 : memref<1x64xi32, #tpu.memory_space<vmem>> -> memref<64xi32, #tpu.memory_space<vmem>>
      %dma_start3A_132 = arith.constant 0 : i32
      %dma_start3A_133 = arith.constant 0 : i32
      %dma_start3A_134 = tpu.memref_slice %arg2[%dma_start3A_132, %dma_start3A_133] : memref<10000x128xf32, #tpu.memory_space<hbm>> -> memref<10000x128xf32, #tpu.memory_space<hbm>>
      tpu.enqueue_indirect_dma source(%dma_start3A_134 : memref<10000x128xf32, #tpu.memory_space<hbm>>) target(%arg10 : memref<64x128xf32, #tpu.memory_space<vmem>>) offsets(%dma_start3A_131 : memref<64xi32, #tpu.memory_space<vmem>>) semaphore(%arg15 : memref<!tpu.dma_semaphore, #tpu.memory_space<semaphore_mem>>)
      %dma_start3A_135 = arith.constant 3 : i32
      %dma_start3A_136 = arith.constant 0 : i32
      %dma_start3A_137 = tpu.memref_slice %arg6[%dma_start3A_135, %dma_start3A_136] : memref<40x64xi32, #tpu.memory_space<vmem>> -> memref<1x64xi32, #tpu.memory_space<vmem>>
      %dma_start3A_138 = tpu.memref_squeeze %dma_start3A_137 : memref<1x64xi32, #tpu.memory_space<vmem>> -> memref<64xi32, #tpu.memory_space<vmem>>
      %dma_start3A_139 = arith.constant 0 : i32
      %dma_start3A_140 = arith.constant 0 : i32
      %dma_start3A_141 = tpu.memref_slice %arg2[%dma_start3A_139, %dma_start3A_140] : memref<10000x128xf32, #tpu.memory_space<hbm>> -> memref<10000x128xf32, #tpu.memory_space<hbm>>
      tpu.enqueue_indirect_dma source(%dma_start3A_141 : memref<10000x128xf32, #tpu.memory_space<hbm>>) target(%arg11 : memref<64x128xf32, #tpu.memory_space<vmem>>) offsets(%dma_start3A_138 : memref<64xi32, #tpu.memory_space<vmem>>) semaphore(%arg16 : memref<!tpu.dma_semaphore, #tpu.memory_space<semaphore_mem>>)
      %scan3A_142 = arith.constant 0 : i32
      %scan3A_143 = arith.constant 10 : i32
      %scan3A_144 = arith.addi %scan3A_142, %scan3A_143 : i32
      %scan3A_145 = arith.constant 1 : i32
      scf.for %scan3A_147 = %scan3A_142 to %scan3A_144 step %scan3A_145  : i32 {
        %mul3A_148 = arith.constant 4 : i32
        %mul3A_149 = arith.muli %scan3A_147, %mul3A_148 : i32
        %add3A_150 = arith.constant 0 : i32
        %add3A_151 = arith.addi %add3A_150, %mul3A_149 : i32
        %add3A_152 = arith.constant 0 : i32
        %add3A_153 = arith.addi %add3A_151, %add3A_152 : i32
        %dma_wait3A_154 = arith.constant 0 : i32
        %dma_wait3A_155 = tpu.memref_slice %arg6[%add3A_153, %dma_wait3A_154] : memref<40x64xi32, #tpu.memory_space<vmem>> -> memref<1x64xi32, #tpu.memory_space<vmem>>
        %dma_wait3A_156 = tpu.memref_squeeze %dma_wait3A_155 : memref<1x64xi32, #tpu.memory_space<vmem>> -> memref<64xi32, #tpu.memory_space<vmem>>
        %dma_wait3A_157 = arith.constant 0 : i32
        %dma_wait3A_158 = arith.constant 0 : i32
        %dma_wait3A_159 = tpu.memref_slice %arg2[%dma_wait3A_157, %dma_wait3A_158] : memref<10000x128xf32, #tpu.memory_space<hbm>> -> memref<10000x128xf32, #tpu.memory_space<hbm>>
        tpu.wait_indirect_dma semaphore(%arg13 : memref<!tpu.dma_semaphore, #tpu.memory_space<semaphore_mem>>) src(%dma_wait3A_159 : memref<10000x128xf32, #tpu.memory_space<hbm>>) dst(%arg8 : memref<64x128xf32, #tpu.memory_space<vmem>>)
        "tpu.region"() ({
          %run_scoped3A = tpu.sem_alloc : memref<!tpu.dma_semaphore, #tpu.memory_space<semaphore_mem>>
          %dma_start3A_212 = arith.constant 0 : i32
          %dma_start3A_213 = tpu.memref_slice %arg7[%add3A_153, %dma_start3A_212] : memref<40x64xi32, #tpu.memory_space<vmem>> -> memref<1x64xi32, #tpu.memory_space<vmem>>
          %dma_start3A_214 = tpu.memref_squeeze %dma_start3A_213 : memref<1x64xi32, #tpu.memory_space<vmem>> -> memref<64xi32, #tpu.memory_space<vmem>>
          %dma_start3A_215 = arith.constant 0 : i32
          %dma_start3A_216 = arith.constant 0 : i32
          %dma_start3A_217 = tpu.memref_slice %arg12[%dma_start3A_215, %dma_start3A_216] : memref<10112x128xf32, #tpu.memory_space<vmem_shared>> -> memref<10112x128xf32, #tpu.memory_space<vmem_shared>>
          tpu.enqueue_indirect_dma source(%arg8 : memref<64x128xf32, #tpu.memory_space<vmem>>) target(%dma_start3A_217 : memref<10112x128xf32, #tpu.memory_space<vmem_shared>>) offsets(%dma_start3A_214 : memref<64xi32, #tpu.memory_space<vmem>>) semaphore(%run_scoped3A : memref<!tpu.dma_semaphore, #tpu.memory_space<semaphore_mem>>) {add = true}
          %dma_wait3A_218 = arith.constant 0 : i32
          %dma_wait3A_219 = tpu.memref_slice %arg7[%add3A_153, %dma_wait3A_218] : memref<40x64xi32, #tpu.memory_space<vmem>> -> memref<1x64xi32, #tpu.memory_space<vmem>>
          %dma_wait3A_220 = tpu.memref_squeeze %dma_wait3A_219 : memref<1x64xi32, #tpu.memory_space<vmem>> -> memref<64xi32, #tpu.memory_space<vmem>>
          %dma_wait3A_221 = arith.constant 0 : i32
          %dma_wait3A_222 = arith.constant 0 : i32
          %dma_wait3A_223 = tpu.memref_slice %arg12[%dma_wait3A_221, %dma_wait3A_222] : memref<10112x128xf32, #tpu.memory_space<vmem_shared>> -> memref<10112x128xf32, #tpu.memory_space<vmem_shared>>
          tpu.wait_indirect_dma semaphore(%run_scoped3A : memref<!tpu.dma_semaphore, #tpu.memory_space<semaphore_mem>>) src(%arg8 : memref<64x128xf32, #tpu.memory_space<vmem>>) dst(%dma_wait3A_223 : memref<10112x128xf32, #tpu.memory_space<vmem_shared>>)
          tpu.yield
        }) : () -> ()
        %add3A_160 = arith.constant 4 : i32
        %add3A_161 = arith.addi %add3A_153, %add3A_160 : i32
        %lt3A_162 = arith.constant 40 : i32
        %lt3A_163 = arith.cmpi slt, %add3A_161, %lt3A_162 : i32
        %convert_element_type3A_164 = arith.extui %lt3A_163 : i1 to i32
        %cond3A_165 = arith.constant 0 : i32
        %cond3A_166 = arith.cmpi ne, %convert_element_type3A_164, %cond3A_165 : i32
        scf.if %cond3A_166 {
          %add3A_212 = arith.constant 4 : i32
          %add3A_213 = arith.addi %add3A_153, %add3A_212 : i32
          %dma_start3A_214 = arith.constant 0 : i32
          %dma_start3A_215 = tpu.memref_slice %arg6[%add3A_213, %dma_start3A_214] : memref<40x64xi32, #tpu.memory_space<vmem>> -> memref<1x64xi32, #tpu.memory_space<vmem>>
          %dma_start3A_216 = tpu.memref_squeeze %dma_start3A_215 : memref<1x64xi32, #tpu.memory_space<vmem>> -> memref<64xi32, #tpu.memory_space<vmem>>
          %dma_start3A_217 = arith.constant 0 : i32
          %dma_start3A_218 = arith.constant 0 : i32
          %dma_start3A_219 = tpu.memref_slice %arg2[%dma_start3A_217, %dma_start3A_218] : memref<10000x128xf32, #tpu.memory_space<hbm>> -> memref<10000x128xf32, #tpu.memory_space<hbm>>
          tpu.enqueue_indirect_dma source(%dma_start3A_219 : memref<10000x128xf32, #tpu.memory_space<hbm>>) target(%arg8 : memref<64x128xf32, #tpu.memory_space<vmem>>) offsets(%dma_start3A_216 : memref<64xi32, #tpu.memory_space<vmem>>) semaphore(%arg13 : memref<!tpu.dma_semaphore, #tpu.memory_space<semaphore_mem>>)
        } else {
        }
        %add3A_167 = arith.constant 1 : i32
        %add3A_168 = arith.addi %add3A_151, %add3A_167 : i32
        %dma_wait3A_169 = arith.constant 0 : i32
        %dma_wait3A_170 = tpu.memref_slice %arg6[%add3A_168, %dma_wait3A_169] : memref<40x64xi32, #tpu.memory_space<vmem>> -> memref<1x64xi32, #tpu.memory_space<vmem>>
        %dma_wait3A_171 = tpu.memref_squeeze %dma_wait3A_170 : memref<1x64xi32, #tpu.memory_space<vmem>> -> memref<64xi32, #tpu.memory_space<vmem>>
        %dma_wait3A_172 = arith.constant 0 : i32
        %dma_wait3A_173 = arith.constant 0 : i32
        %dma_wait3A_174 = tpu.memref_slice %arg2[%dma_wait3A_172, %dma_wait3A_173] : memref<10000x128xf32, #tpu.memory_space<hbm>> -> memref<10000x128xf32, #tpu.memory_space<hbm>>
        tpu.wait_indirect_dma semaphore(%arg14 : memref<!tpu.dma_semaphore, #tpu.memory_space<semaphore_mem>>) src(%dma_wait3A_174 : memref<10000x128xf32, #tpu.memory_space<hbm>>) dst(%arg9 : memref<64x128xf32, #tpu.memory_space<vmem>>)
        "tpu.region"() ({
          %run_scoped3A = tpu.sem_alloc : memref<!tpu.dma_semaphore, #tpu.memory_space<semaphore_mem>>
          %dma_start3A_212 = arith.constant 0 : i32
          %dma_start3A_213 = tpu.memref_slice %arg7[%add3A_168, %dma_start3A_212] : memref<40x64xi32, #tpu.memory_space<vmem>> -> memref<1x64xi32, #tpu.memory_space<vmem>>
          %dma_start3A_214 = tpu.memref_squeeze %dma_start3A_213 : memref<1x64xi32, #tpu.memory_space<vmem>> -> memref<64xi32, #tpu.memory_space<vmem>>
          %dma_start3A_215 = arith.constant 0 : i32
          %dma_start3A_216 = arith.constant 0 : i32
          %dma_start3A_217 = tpu.memref_slice %arg12[%dma_start3A_215, %dma_start3A_216] : memref<10112x128xf32, #tpu.memory_space<vmem_shared>> -> memref<10112x128xf32, #tpu.memory_space<vmem_shared>>
          tpu.enqueue_indirect_dma source(%arg9 : memref<64x128xf32, #tpu.memory_space<vmem>>) target(%dma_start3A_217 : memref<10112x128xf32, #tpu.memory_space<vmem_shared>>) offsets(%dma_start3A_214 : memref<64xi32, #tpu.memory_space<vmem>>) semaphore(%run_scoped3A : memref<!tpu.dma_semaphore, #tpu.memory_space<semaphore_mem>>) {add = true}
          %dma_wait3A_218 = arith.constant 0 : i32
          %dma_wait3A_219 = tpu.memref_slice %arg7[%add3A_168, %dma_wait3A_218] : memref<40x64xi32, #tpu.memory_space<vmem>> -> memref<1x64xi32, #tpu.memory_space<vmem>>
          %dma_wait3A_220 = tpu.memref_squeeze %dma_wait3A_219 : memref<1x64xi32, #tpu.memory_space<vmem>> -> memref<64xi32, #tpu.memory_space<vmem>>
          %dma_wait3A_221 = arith.constant 0 : i32
          %dma_wait3A_222 = arith.constant 0 : i32
          %dma_wait3A_223 = tpu.memref_slice %arg12[%dma_wait3A_221, %dma_wait3A_222] : memref<10112x128xf32, #tpu.memory_space<vmem_shared>> -> memref<10112x128xf32, #tpu.memory_space<vmem_shared>>
          tpu.wait_indirect_dma semaphore(%run_scoped3A : memref<!tpu.dma_semaphore, #tpu.memory_space<semaphore_mem>>) src(%arg9 : memref<64x128xf32, #tpu.memory_space<vmem>>) dst(%dma_wait3A_223 : memref<10112x128xf32, #tpu.memory_space<vmem_shared>>)
          tpu.yield
        }) : () -> ()
        %add3A_175 = arith.constant 4 : i32
        %add3A_176 = arith.addi %add3A_168, %add3A_175 : i32
        %lt3A_177 = arith.constant 40 : i32
        %lt3A_178 = arith.cmpi slt, %add3A_176, %lt3A_177 : i32
        %convert_element_type3A_179 = arith.extui %lt3A_178 : i1 to i32
        %cond3A_180 = arith.constant 0 : i32
        %cond3A_181 = arith.cmpi ne, %convert_element_type3A_179, %cond3A_180 : i32
        scf.if %cond3A_181 {
          %add3A_212 = arith.constant 4 : i32
          %add3A_213 = arith.addi %add3A_168, %add3A_212 : i32
          %dma_start3A_214 = arith.constant 0 : i32
          %dma_start3A_215 = tpu.memref_slice %arg6[%add3A_213, %dma_start3A_214] : memref<40x64xi32, #tpu.memory_space<vmem>> -> memref<1x64xi32, #tpu.memory_space<vmem>>
          %dma_start3A_216 = tpu.memref_squeeze %dma_start3A_215 : memref<1x64xi32, #tpu.memory_space<vmem>> -> memref<64xi32, #tpu.memory_space<vmem>>
          %dma_start3A_217 = arith.constant 0 : i32
          %dma_start3A_218 = arith.constant 0 : i32
          %dma_start3A_219 = tpu.memref_slice %arg2[%dma_start3A_217, %dma_start3A_218] : memref<10000x128xf32, #tpu.memory_space<hbm>> -> memref<10000x128xf32, #tpu.memory_space<hbm>>
          tpu.enqueue_indirect_dma source(%dma_start3A_219 : memref<10000x128xf32, #tpu.memory_space<hbm>>) target(%arg9 : memref<64x128xf32, #tpu.memory_space<vmem>>) offsets(%dma_start3A_216 : memref<64xi32, #tpu.memory_space<vmem>>) semaphore(%arg14 : memref<!tpu.dma_semaphore, #tpu.memory_space<semaphore_mem>>)
        } else {
        }
        %add3A_182 = arith.constant 2 : i32
        %add3A_183 = arith.addi %add3A_151, %add3A_182 : i32
        %dma_wait3A_184 = arith.constant 0 : i32
        %dma_wait3A_185 = tpu.memref_slice %arg6[%add3A_183, %dma_wait3A_184] : memref<40x64xi32, #tpu.memory_space<vmem>> -> memref<1x64xi32, #tpu.memory_space<vmem>>
        %dma_wait3A_186 = tpu.memref_squeeze %dma_wait3A_185 : memref<1x64xi32, #tpu.memory_space<vmem>> -> memref<64xi32, #tpu.memory_space<vmem>>
        %dma_wait3A_187 = arith.constant 0 : i32
        %dma_wait3A_188 = arith.constant 0 : i32
        %dma_wait3A_189 = tpu.memref_slice %arg2[%dma_wait3A_187, %dma_wait3A_188] : memref<10000x128xf32, #tpu.memory_space<hbm>> -> memref<10000x128xf32, #tpu.memory_space<hbm>>
        tpu.wait_indirect_dma semaphore(%arg15 : memref<!tpu.dma_semaphore, #tpu.memory_space<semaphore_mem>>) src(%dma_wait3A_189 : memref<10000x128xf32, #tpu.memory_space<hbm>>) dst(%arg10 : memref<64x128xf32, #tpu.memory_space<vmem>>)
        "tpu.region"() ({
          %run_scoped3A = tpu.sem_alloc : memref<!tpu.dma_semaphore, #tpu.memory_space<semaphore_mem>>
          %dma_start3A_212 = arith.constant 0 : i32
          %dma_start3A_213 = tpu.memref_slice %arg7[%add3A_183, %dma_start3A_212] : memref<40x64xi32, #tpu.memory_space<vmem>> -> memref<1x64xi32, #tpu.memory_space<vmem>>
          %dma_start3A_214 = tpu.memref_squeeze %dma_start3A_213 : memref<1x64xi32, #tpu.memory_space<vmem>> -> memref<64xi32, #tpu.memory_space<vmem>>
          %dma_start3A_215 = arith.constant 0 : i32
          %dma_start3A_216 = arith.constant 0 : i32
          %dma_start3A_217 = tpu.memref_slice %arg12[%dma_start3A_215, %dma_start3A_216] : memref<10112x128xf32, #tpu.memory_space<vmem_shared>> -> memref<10112x128xf32, #tpu.memory_space<vmem_shared>>
          tpu.enqueue_indirect_dma source(%arg10 : memref<64x128xf32, #tpu.memory_space<vmem>>) target(%dma_start3A_217 : memref<10112x128xf32, #tpu.memory_space<vmem_shared>>) offsets(%dma_start3A_214 : memref<64xi32, #tpu.memory_space<vmem>>) semaphore(%run_scoped3A : memref<!tpu.dma_semaphore, #tpu.memory_space<semaphore_mem>>) {add = true}
          %dma_wait3A_218 = arith.constant 0 : i32
          %dma_wait3A_219 = tpu.memref_slice %arg7[%add3A_183, %dma_wait3A_218] : memref<40x64xi32, #tpu.memory_space<vmem>> -> memref<1x64xi32, #tpu.memory_space<vmem>>
          %dma_wait3A_220 = tpu.memref_squeeze %dma_wait3A_219 : memref<1x64xi32, #tpu.memory_space<vmem>> -> memref<64xi32, #tpu.memory_space<vmem>>
          %dma_wait3A_221 = arith.constant 0 : i32
          %dma_wait3A_222 = arith.constant 0 : i32
          %dma_wait3A_223 = tpu.memref_slice %arg12[%dma_wait3A_221, %dma_wait3A_222] : memref<10112x128xf32, #tpu.memory_space<vmem_shared>> -> memref<10112x128xf32, #tpu.memory_space<vmem_shared>>
          tpu.wait_indirect_dma semaphore(%run_scoped3A : memref<!tpu.dma_semaphore, #tpu.memory_space<semaphore_mem>>) src(%arg10 : memref<64x128xf32, #tpu.memory_space<vmem>>) dst(%dma_wait3A_223 : memref<10112x128xf32, #tpu.memory_space<vmem_shared>>)
          tpu.yield
        }) : () -> ()
        %add3A_190 = arith.constant 4 : i32
        %add3A_191 = arith.addi %add3A_183, %add3A_190 : i32
        %lt3A_192 = arith.constant 40 : i32
        %lt3A_193 = arith.cmpi slt, %add3A_191, %lt3A_192 : i32
        %convert_element_type3A_194 = arith.extui %lt3A_193 : i1 to i32
        %cond3A_195 = arith.constant 0 : i32
        %cond3A_196 = arith.cmpi ne, %convert_element_type3A_194, %cond3A_195 : i32
        scf.if %cond3A_196 {
          %add3A_212 = arith.constant 4 : i32
          %add3A_213 = arith.addi %add3A_183, %add3A_212 : i32
          %dma_start3A_214 = arith.constant 0 : i32
          %dma_start3A_215 = tpu.memref_slice %arg6[%add3A_213, %dma_start3A_214] : memref<40x64xi32, #tpu.memory_space<vmem>> -> memref<1x64xi32, #tpu.memory_space<vmem>>
          %dma_start3A_216 = tpu.memref_squeeze %dma_start3A_215 : memref<1x64xi32, #tpu.memory_space<vmem>> -> memref<64xi32, #tpu.memory_space<vmem>>
          %dma_start3A_217 = arith.constant 0 : i32
          %dma_start3A_218 = arith.constant 0 : i32
          %dma_start3A_219 = tpu.memref_slice %arg2[%dma_start3A_217, %dma_start3A_218] : memref<10000x128xf32, #tpu.memory_space<hbm>> -> memref<10000x128xf32, #tpu.memory_space<hbm>>
          tpu.enqueue_indirect_dma source(%dma_start3A_219 : memref<10000x128xf32, #tpu.memory_space<hbm>>) target(%arg10 : memref<64x128xf32, #tpu.memory_space<vmem>>) offsets(%dma_start3A_216 : memref<64xi32, #tpu.memory_space<vmem>>) semaphore(%arg15 : memref<!tpu.dma_semaphore, #tpu.memory_space<semaphore_mem>>)
        } else {
        }
        %add3A_197 = arith.constant 3 : i32
        %add3A_198 = arith.addi %add3A_151, %add3A_197 : i32
        %dma_wait3A_199 = arith.constant 0 : i32
        %dma_wait3A_200 = tpu.memref_slice %arg6[%add3A_198, %dma_wait3A_199] : memref<40x64xi32, #tpu.memory_space<vmem>> -> memref<1x64xi32, #tpu.memory_space<vmem>>
        %dma_wait3A_201 = tpu.memref_squeeze %dma_wait3A_200 : memref<1x64xi32, #tpu.memory_space<vmem>> -> memref<64xi32, #tpu.memory_space<vmem>>
        %dma_wait3A_202 = arith.constant 0 : i32
        %dma_wait3A_203 = arith.constant 0 : i32
        %dma_wait3A_204 = tpu.memref_slice %arg2[%dma_wait3A_202, %dma_wait3A_203] : memref<10000x128xf32, #tpu.memory_space<hbm>> -> memref<10000x128xf32, #tpu.memory_space<hbm>>
        tpu.wait_indirect_dma semaphore(%arg16 : memref<!tpu.dma_semaphore, #tpu.memory_space<semaphore_mem>>) src(%dma_wait3A_204 : memref<10000x128xf32, #tpu.memory_space<hbm>>) dst(%arg11 : memref<64x128xf32, #tpu.memory_space<vmem>>)
        "tpu.region"() ({
          %run_scoped3A = tpu.sem_alloc : memref<!tpu.dma_semaphore, #tpu.memory_space<semaphore_mem>>
          %dma_start3A_212 = arith.constant 0 : i32
          %dma_start3A_213 = tpu.memref_slice %arg7[%add3A_198, %dma_start3A_212] : memref<40x64xi32, #tpu.memory_space<vmem>> -> memref<1x64xi32, #tpu.memory_space<vmem>>
          %dma_start3A_214 = tpu.memref_squeeze %dma_start3A_213 : memref<1x64xi32, #tpu.memory_space<vmem>> -> memref<64xi32, #tpu.memory_space<vmem>>
          %dma_start3A_215 = arith.constant 0 : i32
          %dma_start3A_216 = arith.constant 0 : i32
          %dma_start3A_217 = tpu.memref_slice %arg12[%dma_start3A_215, %dma_start3A_216] : memref<10112x128xf32, #tpu.memory_space<vmem_shared>> -> memref<10112x128xf32, #tpu.memory_space<vmem_shared>>
          tpu.enqueue_indirect_dma source(%arg11 : memref<64x128xf32, #tpu.memory_space<vmem>>) target(%dma_start3A_217 : memref<10112x128xf32, #tpu.memory_space<vmem_shared>>) offsets(%dma_start3A_214 : memref<64xi32, #tpu.memory_space<vmem>>) semaphore(%run_scoped3A : memref<!tpu.dma_semaphore, #tpu.memory_space<semaphore_mem>>) {add = true}
          %dma_wait3A_218 = arith.constant 0 : i32
          %dma_wait3A_219 = tpu.memref_slice %arg7[%add3A_198, %dma_wait3A_218] : memref<40x64xi32, #tpu.memory_space<vmem>> -> memref<1x64xi32, #tpu.memory_space<vmem>>
          %dma_wait3A_220 = tpu.memref_squeeze %dma_wait3A_219 : memref<1x64xi32, #tpu.memory_space<vmem>> -> memref<64xi32, #tpu.memory_space<vmem>>
          %dma_wait3A_221 = arith.constant 0 : i32
          %dma_wait3A_222 = arith.constant 0 : i32
          %dma_wait3A_223 = tpu.memref_slice %arg12[%dma_wait3A_221, %dma_wait3A_222] : memref<10112x128xf32, #tpu.memory_space<vmem_shared>> -> memref<10112x128xf32, #tpu.memory_space<vmem_shared>>
          tpu.wait_indirect_dma semaphore(%run_scoped3A : memref<!tpu.dma_semaphore, #tpu.memory_space<semaphore_mem>>) src(%arg11 : memref<64x128xf32, #tpu.memory_space<vmem>>) dst(%dma_wait3A_223 : memref<10112x128xf32, #tpu.memory_space<vmem_shared>>)
          tpu.yield
        }) : () -> ()
        %add3A_205 = arith.constant 4 : i32
        %add3A_206 = arith.addi %add3A_198, %add3A_205 : i32
        %lt3A_207 = arith.constant 40 : i32
        %lt3A_208 = arith.cmpi slt, %add3A_206, %lt3A_207 : i32
        %convert_element_type3A_209 = arith.extui %lt3A_208 : i1 to i32
        %cond3A_210 = arith.constant 0 : i32
        %cond3A_211 = arith.cmpi ne, %convert_element_type3A_209, %cond3A_210 : i32
        scf.if %cond3A_211 {
          %add3A_212 = arith.constant 4 : i32
          %add3A_213 = arith.addi %add3A_198, %add3A_212 : i32
          %dma_start3A_214 = arith.constant 0 : i32
          %dma_start3A_215 = tpu.memref_slice %arg6[%add3A_213, %dma_start3A_214] : memref<40x64xi32, #tpu.memory_space<vmem>> -> memref<1x64xi32, #tpu.memory_space<vmem>>
          %dma_start3A_216 = tpu.memref_squeeze %dma_start3A_215 : memref<1x64xi32, #tpu.memory_space<vmem>> -> memref<64xi32, #tpu.memory_space<vmem>>
          %dma_start3A_217 = arith.constant 0 : i32
          %dma_start3A_218 = arith.constant 0 : i32
          %dma_start3A_219 = tpu.memref_slice %arg2[%dma_start3A_217, %dma_start3A_218] : memref<10000x128xf32, #tpu.memory_space<hbm>> -> memref<10000x128xf32, #tpu.memory_space<hbm>>
          tpu.enqueue_indirect_dma source(%dma_start3A_219 : memref<10000x128xf32, #tpu.memory_space<hbm>>) target(%arg11 : memref<64x128xf32, #tpu.memory_space<vmem>>) offsets(%dma_start3A_216 : memref<64xi32, #tpu.memory_space<vmem>>) semaphore(%arg16 : memref<!tpu.dma_semaphore, #tpu.memory_space<semaphore_mem>>)
        } else {
        }
      }
      %scan3A_146 = arith.constant 10 : i32
    } else {
    }
    %add3A_67 = arith.constant 80 : i32
    %add3A_68 = arith.addi %mul3A_2, %add3A_67 : i32
    %lt3A_69 = arith.constant 5000 : i32
    %lt3A_70 = arith.cmpi slt, %add3A_68, %lt3A_69 : i32
    %convert_element_type3A_71 = arith.extui %lt3A_70 : i1 to i32
    %cond3A_72 = arith.constant 0 : i32
    %cond3A_73 = arith.cmpi ne, %convert_element_type3A_71, %cond3A_72 : i32
    scf.if %cond3A_73 {
      %dma_start3A_86 = arith.constant 0 : i32
      %dma_start3A_87 = arith.constant 0 : i32
      %dma_start3A_88 = tpu.memref_slice %arg3[%dma_start3A_86, %add3A_68, %dma_start3A_87] : memref<2x5000x64xi32, #tpu.memory_space<hbm>> -> memref<1x40x64xi32, #tpu.memory_space<hbm>>
      %dma_start3A_89 = tpu.memref_squeeze %dma_start3A_88 : memref<1x40x64xi32, #tpu.memory_space<hbm>> -> memref<40x64xi32, #tpu.memory_space<hbm>>
      %dma_start3A_90 = arith.constant 0 : i32
      %dma_start3A_91 = tpu.memref_slice %arg3[%dma_start3A_86, %add3A_68, %dma_start3A_90] : memref<2x5000x64xi32, #tpu.memory_space<hbm>> -> memref<1x40x64xi32, #tpu.memory_space<hbm>>
      %dma_start3A_92 = tpu.memref_squeeze %dma_start3A_91 : memref<1x40x64xi32, #tpu.memory_space<hbm>> -> memref<40x64xi32, #tpu.memory_space<hbm>>
      tpu.enqueue_dma source(%dma_start3A_92 : memref<40x64xi32, #tpu.memory_space<hbm>>) target(%arg6 : memref<40x64xi32, #tpu.memory_space<vmem>>) target_semaphore(%arg17 : memref<!tpu.dma_semaphore, #tpu.memory_space<semaphore_mem>>)
      %dma_start3A_93 = arith.constant 1 : i32
      %dma_start3A_94 = arith.constant 0 : i32
      %dma_start3A_95 = tpu.memref_slice %arg3[%dma_start3A_93, %add3A_68, %dma_start3A_94] : memref<2x5000x64xi32, #tpu.memory_space<hbm>> -> memref<1x40x64xi32, #tpu.memory_space<hbm>>
      %dma_start3A_96 = tpu.memref_squeeze %dma_start3A_95 : memref<1x40x64xi32, #tpu.memory_space<hbm>> -> memref<40x64xi32, #tpu.memory_space<hbm>>
      %dma_start3A_97 = arith.constant 0 : i32
      %dma_start3A_98 = tpu.memref_slice %arg3[%dma_start3A_93, %add3A_68, %dma_start3A_97] : memref<2x5000x64xi32, #tpu.memory_space<hbm>> -> memref<1x40x64xi32, #tpu.memory_space<hbm>>
      %dma_start3A_99 = tpu.memref_squeeze %dma_start3A_98 : memref<1x40x64xi32, #tpu.memory_space<hbm>> -> memref<40x64xi32, #tpu.memory_space<hbm>>
      tpu.enqueue_dma source(%dma_start3A_99 : memref<40x64xi32, #tpu.memory_space<hbm>>) target(%arg7 : memref<40x64xi32, #tpu.memory_space<vmem>>) target_semaphore(%arg17 : memref<!tpu.dma_semaphore, #tpu.memory_space<semaphore_mem>>)
      %dma_wait3A_100 = arith.constant 0 : i32
      %dma_wait3A_101 = arith.constant 0 : i32
      %dma_wait3A_102 = tpu.memref_slice %arg3[%dma_wait3A_100, %add3A_68, %dma_wait3A_101] : memref<2x5000x64xi32, #tpu.memory_space<hbm>> -> memref<1x40x64xi32, #tpu.memory_space<hbm>>
      %dma_wait3A_103 = tpu.memref_squeeze %dma_wait3A_102 : memref<1x40x64xi32, #tpu.memory_space<hbm>> -> memref<40x64xi32, #tpu.memory_space<hbm>>
      %dma_wait3A_104 = arith.constant 0 : i32
      %dma_wait3A_105 = tpu.memref_slice %arg3[%dma_wait3A_100, %add3A_68, %dma_wait3A_104] : memref<2x5000x64xi32, #tpu.memory_space<hbm>> -> memref<1x40x64xi32, #tpu.memory_space<hbm>>
      %dma_wait3A_106 = tpu.memref_squeeze %dma_wait3A_105 : memref<1x40x64xi32, #tpu.memory_space<hbm>> -> memref<40x64xi32, #tpu.memory_space<hbm>>
      tpu.wait_dma2 semaphore(%arg17 : memref<!tpu.dma_semaphore, #tpu.memory_space<semaphore_mem>>) src(%dma_wait3A_106 : memref<40x64xi32, #tpu.memory_space<hbm>>) dst(%arg6 : memref<40x64xi32, #tpu.memory_space<vmem>>)
      %dma_wait3A_107 = arith.constant 1 : i32
      %dma_wait3A_108 = arith.constant 0 : i32
      %dma_wait3A_109 = tpu.memref_slice %arg3[%dma_wait3A_107, %add3A_68, %dma_wait3A_108] : memref<2x5000x64xi32, #tpu.memory_space<hbm>> -> memref<1x40x64xi32, #tpu.memory_space<hbm>>
      %dma_wait3A_110 = tpu.memref_squeeze %dma_wait3A_109 : memref<1x40x64xi32, #tpu.memory_space<hbm>> -> memref<40x64xi32, #tpu.memory_space<hbm>>
      %dma_wait3A_111 = arith.constant 0 : i32
      %dma_wait3A_112 = tpu.memref_slice %arg3[%dma_wait3A_107, %add3A_68, %dma_wait3A_111] : memref<2x5000x64xi32, #tpu.memory_space<hbm>> -> memref<1x40x64xi32, #tpu.memory_space<hbm>>
      %dma_wait3A_113 = tpu.memref_squeeze %dma_wait3A_112 : memref<1x40x64xi32, #tpu.memory_space<hbm>> -> memref<40x64xi32, #tpu.memory_space<hbm>>
      tpu.wait_dma2 semaphore(%arg17 : memref<!tpu.dma_semaphore, #tpu.memory_space<semaphore_mem>>) src(%dma_wait3A_113 : memref<40x64xi32, #tpu.memory_space<hbm>>) dst(%arg7 : memref<40x64xi32, #tpu.memory_space<vmem>>)
      %dma_start3A_114 = arith.constant 0 : i32
      %dma_start3A_115 = arith.constant 0 : i32
      %dma_start3A_116 = tpu.memref_slice %arg6[%dma_start3A_114, %dma_start3A_115] : memref<40x64xi32, #tpu.memory_space<vmem>> -> memref<1x64xi32, #tpu.memory_space<vmem>>
      %dma_start3A_117 = tpu.memref_squeeze %dma_start3A_116 : memref<1x64xi32, #tpu.memory_space<vmem>> -> memref<64xi32, #tpu.memory_space<vmem>>
      %dma_start3A_118 = arith.constant 0 : i32
      %dma_start3A_119 = arith.constant 0 : i32
      %dma_start3A_120 = tpu.memref_slice %arg2[%dma_start3A_118, %dma_start3A_119] : memref<10000x128xf32, #tpu.memory_space<hbm>> -> memref<10000x128xf32, #tpu.memory_space<hbm>>
      tpu.enqueue_indirect_dma source(%dma_start3A_120 : memref<10000x128xf32, #tpu.memory_space<hbm>>) target(%arg8 : memref<64x128xf32, #tpu.memory_space<vmem>>) offsets(%dma_start3A_117 : memref<64xi32, #tpu.memory_space<vmem>>) semaphore(%arg13 : memref<!tpu.dma_semaphore, #tpu.memory_space<semaphore_mem>>)
      %dma_start3A_121 = arith.constant 1 : i32
      %dma_start3A_122 = arith.constant 0 : i32
      %dma_start3A_123 = tpu.memref_slice %arg6[%dma_start3A_121, %dma_start3A_122] : memref<40x64xi32, #tpu.memory_space<vmem>> -> memref<1x64xi32, #tpu.memory_space<vmem>>
      %dma_start3A_124 = tpu.memref_squeeze %dma_start3A_123 : memref<1x64xi32, #tpu.memory_space<vmem>> -> memref<64xi32, #tpu.memory_space<vmem>>
      %dma_start3A_125 = arith.constant 0 : i32
      %dma_start3A_126 = arith.constant 0 : i32
      %dma_start3A_127 = tpu.memref_slice %arg2[%dma_start3A_125, %dma_start3A_126] : memref<10000x128xf32, #tpu.memory_space<hbm>> -> memref<10000x128xf32, #tpu.memory_space<hbm>>
      tpu.enqueue_indirect_dma source(%dma_start3A_127 : memref<10000x128xf32, #tpu.memory_space<hbm>>) target(%arg9 : memref<64x128xf32, #tpu.memory_space<vmem>>) offsets(%dma_start3A_124 : memref<64xi32, #tpu.memory_space<vmem>>) semaphore(%arg14 : memref<!tpu.dma_semaphore, #tpu.memory_space<semaphore_mem>>)
      %dma_start3A_128 = arith.constant 2 : i32
      %dma_start3A_129 = arith.constant 0 : i32
      %dma_start3A_130 = tpu.memref_slice %arg6[%dma_start3A_128, %dma_start3A_129] : memref<40x64xi32, #tpu.memory_space<vmem>> -> memref<1x64xi32, #tpu.memory_space<vmem>>
      %dma_start3A_131 = tpu.memref_squeeze %dma_start3A_130 : memref<1x64xi32, #tpu.memory_space<vmem>> -> memref<64xi32, #tpu.memory_space<vmem>>
      %dma_start3A_132 = arith.constant 0 : i32
      %dma_start3A_133 = arith.constant 0 : i32
      %dma_start3A_134 = tpu.memref_slice %arg2[%dma_start3A_132, %dma_start3A_133] : memref<10000x128xf32, #tpu.memory_space<hbm>> -> memref<10000x128xf32, #tpu.memory_space<hbm>>
      tpu.enqueue_indirect_dma source(%dma_start3A_134 : memref<10000x128xf32, #tpu.memory_space<hbm>>) target(%arg10 : memref<64x128xf32, #tpu.memory_space<vmem>>) offsets(%dma_start3A_131 : memref<64xi32, #tpu.memory_space<vmem>>) semaphore(%arg15 : memref<!tpu.dma_semaphore, #tpu.memory_space<semaphore_mem>>)
      %dma_start3A_135 = arith.constant 3 : i32
      %dma_start3A_136 = arith.constant 0 : i32
      %dma_start3A_137 = tpu.memref_slice %arg6[%dma_start3A_135, %dma_start3A_136] : memref<40x64xi32, #tpu.memory_space<vmem>> -> memref<1x64xi32, #tpu.memory_space<vmem>>
      %dma_start3A_138 = tpu.memref_squeeze %dma_start3A_137 : memref<1x64xi32, #tpu.memory_space<vmem>> -> memref<64xi32, #tpu.memory_space<vmem>>
      %dma_start3A_139 = arith.constant 0 : i32
      %dma_start3A_140 = arith.constant 0 : i32
      %dma_start3A_141 = tpu.memref_slice %arg2[%dma_start3A_139, %dma_start3A_140] : memref<10000x128xf32, #tpu.memory_space<hbm>> -> memref<10000x128xf32, #tpu.memory_space<hbm>>
      tpu.enqueue_indirect_dma source(%dma_start3A_141 : memref<10000x128xf32, #tpu.memory_space<hbm>>) target(%arg11 : memref<64x128xf32, #tpu.memory_space<vmem>>) offsets(%dma_start3A_138 : memref<64xi32, #tpu.memory_space<vmem>>) semaphore(%arg16 : memref<!tpu.dma_semaphore, #tpu.memory_space<semaphore_mem>>)
      %scan3A_142 = arith.constant 0 : i32
      %scan3A_143 = arith.constant 10 : i32
      %scan3A_144 = arith.addi %scan3A_142, %scan3A_143 : i32
      %scan3A_145 = arith.constant 1 : i32
      scf.for %scan3A_147 = %scan3A_142 to %scan3A_144 step %scan3A_145  : i32 {
        %mul3A_148 = arith.constant 4 : i32
        %mul3A_149 = arith.muli %scan3A_147, %mul3A_148 : i32
        %add3A_150 = arith.constant 0 : i32
        %add3A_151 = arith.addi %add3A_150, %mul3A_149 : i32
        %add3A_152 = arith.constant 0 : i32
        %add3A_153 = arith.addi %add3A_151, %add3A_152 : i32
        %dma_wait3A_154 = arith.constant 0 : i32
        %dma_wait3A_155 = tpu.memref_slice %arg6[%add3A_153, %dma_wait3A_154] : memref<40x64xi32, #tpu.memory_space<vmem>> -> memref<1x64xi32, #tpu.memory_space<vmem>>
        %dma_wait3A_156 = tpu.memref_squeeze %dma_wait3A_155 : memref<1x64xi32, #tpu.memory_space<vmem>> -> memref<64xi32, #tpu.memory_space<vmem>>
        %dma_wait3A_157 = arith.constant 0 : i32
        %dma_wait3A_158 = arith.constant 0 : i32
        %dma_wait3A_159 = tpu.memref_slice %arg2[%dma_wait3A_157, %dma_wait3A_158] : memref<10000x128xf32, #tpu.memory_space<hbm>> -> memref<10000x128xf32, #tpu.memory_space<hbm>>
        tpu.wait_indirect_dma semaphore(%arg13 : memref<!tpu.dma_semaphore, #tpu.memory_space<semaphore_mem>>) src(%dma_wait3A_159 : memref<10000x128xf32, #tpu.memory_space<hbm>>) dst(%arg8 : memref<64x128xf32, #tpu.memory_space<vmem>>)
        "tpu.region"() ({
          %run_scoped3A = tpu.sem_alloc : memref<!tpu.dma_semaphore, #tpu.memory_space<semaphore_mem>>
          %dma_start3A_212 = arith.constant 0 : i32
          %dma_start3A_213 = tpu.memref_slice %arg7[%add3A_153, %dma_start3A_212] : memref<40x64xi32, #tpu.memory_space<vmem>> -> memref<1x64xi32, #tpu.memory_space<vmem>>
          %dma_start3A_214 = tpu.memref_squeeze %dma_start3A_213 : memref<1x64xi32, #tpu.memory_space<vmem>> -> memref<64xi32, #tpu.memory_space<vmem>>
          %dma_start3A_215 = arith.constant 0 : i32
          %dma_start3A_216 = arith.constant 0 : i32
          %dma_start3A_217 = tpu.memref_slice %arg12[%dma_start3A_215, %dma_start3A_216] : memref<10112x128xf32, #tpu.memory_space<vmem_shared>> -> memref<10112x128xf32, #tpu.memory_space<vmem_shared>>
          tpu.enqueue_indirect_dma source(%arg8 : memref<64x128xf32, #tpu.memory_space<vmem>>) target(%dma_start3A_217 : memref<10112x128xf32, #tpu.memory_space<vmem_shared>>) offsets(%dma_start3A_214 : memref<64xi32, #tpu.memory_space<vmem>>) semaphore(%run_scoped3A : memref<!tpu.dma_semaphore, #tpu.memory_space<semaphore_mem>>) {add = true}
          %dma_wait3A_218 = arith.constant 0 : i32
          %dma_wait3A_219 = tpu.memref_slice %arg7[%add3A_153, %dma_wait3A_218] : memref<40x64xi32, #tpu.memory_space<vmem>> -> memref<1x64xi32, #tpu.memory_space<vmem>>
          %dma_wait3A_220 = tpu.memref_squeeze %dma_wait3A_219 : memref<1x64xi32, #tpu.memory_space<vmem>> -> memref<64xi32, #tpu.memory_space<vmem>>
          %dma_wait3A_221 = arith.constant 0 : i32
          %dma_wait3A_222 = arith.constant 0 : i32
          %dma_wait3A_223 = tpu.memref_slice %arg12[%dma_wait3A_221, %dma_wait3A_222] : memref<10112x128xf32, #tpu.memory_space<vmem_shared>> -> memref<10112x128xf32, #tpu.memory_space<vmem_shared>>
          tpu.wait_indirect_dma semaphore(%run_scoped3A : memref<!tpu.dma_semaphore, #tpu.memory_space<semaphore_mem>>) src(%arg8 : memref<64x128xf32, #tpu.memory_space<vmem>>) dst(%dma_wait3A_223 : memref<10112x128xf32, #tpu.memory_space<vmem_shared>>)
          tpu.yield
        }) : () -> ()
        %add3A_160 = arith.constant 4 : i32
        %add3A_161 = arith.addi %add3A_153, %add3A_160 : i32
        %lt3A_162 = arith.constant 40 : i32
        %lt3A_163 = arith.cmpi slt, %add3A_161, %lt3A_162 : i32
        %convert_element_type3A_164 = arith.extui %lt3A_163 : i1 to i32
        %cond3A_165 = arith.constant 0 : i32
        %cond3A_166 = arith.cmpi ne, %convert_element_type3A_164, %cond3A_165 : i32
        scf.if %cond3A_166 {
          %add3A_212 = arith.constant 4 : i32
          %add3A_213 = arith.addi %add3A_153, %add3A_212 : i32
          %dma_start3A_214 = arith.constant 0 : i32
          %dma_start3A_215 = tpu.memref_slice %arg6[%add3A_213, %dma_start3A_214] : memref<40x64xi32, #tpu.memory_space<vmem>> -> memref<1x64xi32, #tpu.memory_space<vmem>>
          %dma_start3A_216 = tpu.memref_squeeze %dma_start3A_215 : memref<1x64xi32, #tpu.memory_space<vmem>> -> memref<64xi32, #tpu.memory_space<vmem>>
          %dma_start3A_217 = arith.constant 0 : i32
          %dma_start3A_218 = arith.constant 0 : i32
          %dma_start3A_219 = tpu.memref_slice %arg2[%dma_start3A_217, %dma_start3A_218] : memref<10000x128xf32, #tpu.memory_space<hbm>> -> memref<10000x128xf32, #tpu.memory_space<hbm>>
          tpu.enqueue_indirect_dma source(%dma_start3A_219 : memref<10000x128xf32, #tpu.memory_space<hbm>>) target(%arg8 : memref<64x128xf32, #tpu.memory_space<vmem>>) offsets(%dma_start3A_216 : memref<64xi32, #tpu.memory_space<vmem>>) semaphore(%arg13 : memref<!tpu.dma_semaphore, #tpu.memory_space<semaphore_mem>>)
        } else {
        }
        %add3A_167 = arith.constant 1 : i32
        %add3A_168 = arith.addi %add3A_151, %add3A_167 : i32
        %dma_wait3A_169 = arith.constant 0 : i32
        %dma_wait3A_170 = tpu.memref_slice %arg6[%add3A_168, %dma_wait3A_169] : memref<40x64xi32, #tpu.memory_space<vmem>> -> memref<1x64xi32, #tpu.memory_space<vmem>>
        %dma_wait3A_171 = tpu.memref_squeeze %dma_wait3A_170 : memref<1x64xi32, #tpu.memory_space<vmem>> -> memref<64xi32, #tpu.memory_space<vmem>>
        %dma_wait3A_172 = arith.constant 0 : i32
        %dma_wait3A_173 = arith.constant 0 : i32
        %dma_wait3A_174 = tpu.memref_slice %arg2[%dma_wait3A_172, %dma_wait3A_173] : memref<10000x128xf32, #tpu.memory_space<hbm>> -> memref<10000x128xf32, #tpu.memory_space<hbm>>
        tpu.wait_indirect_dma semaphore(%arg14 : memref<!tpu.dma_semaphore, #tpu.memory_space<semaphore_mem>>) src(%dma_wait3A_174 : memref<10000x128xf32, #tpu.memory_space<hbm>>) dst(%arg9 : memref<64x128xf32, #tpu.memory_space<vmem>>)
        "tpu.region"() ({
          %run_scoped3A = tpu.sem_alloc : memref<!tpu.dma_semaphore, #tpu.memory_space<semaphore_mem>>
          %dma_start3A_212 = arith.constant 0 : i32
          %dma_start3A_213 = tpu.memref_slice %arg7[%add3A_168, %dma_start3A_212] : memref<40x64xi32, #tpu.memory_space<vmem>> -> memref<1x64xi32, #tpu.memory_space<vmem>>
          %dma_start3A_214 = tpu.memref_squeeze %dma_start3A_213 : memref<1x64xi32, #tpu.memory_space<vmem>> -> memref<64xi32, #tpu.memory_space<vmem>>
          %dma_start3A_215 = arith.constant 0 : i32
          %dma_start3A_216 = arith.constant 0 : i32
          %dma_start3A_217 = tpu.memref_slice %arg12[%dma_start3A_215, %dma_start3A_216] : memref<10112x128xf32, #tpu.memory_space<vmem_shared>> -> memref<10112x128xf32, #tpu.memory_space<vmem_shared>>
          tpu.enqueue_indirect_dma source(%arg9 : memref<64x128xf32, #tpu.memory_space<vmem>>) target(%dma_start3A_217 : memref<10112x128xf32, #tpu.memory_space<vmem_shared>>) offsets(%dma_start3A_214 : memref<64xi32, #tpu.memory_space<vmem>>) semaphore(%run_scoped3A : memref<!tpu.dma_semaphore, #tpu.memory_space<semaphore_mem>>) {add = true}
          %dma_wait3A_218 = arith.constant 0 : i32
          %dma_wait3A_219 = tpu.memref_slice %arg7[%add3A_168, %dma_wait3A_218] : memref<40x64xi32, #tpu.memory_space<vmem>> -> memref<1x64xi32, #tpu.memory_space<vmem>>
          %dma_wait3A_220 = tpu.memref_squeeze %dma_wait3A_219 : memref<1x64xi32, #tpu.memory_space<vmem>> -> memref<64xi32, #tpu.memory_space<vmem>>
          %dma_wait3A_221 = arith.constant 0 : i32
          %dma_wait3A_222 = arith.constant 0 : i32
          %dma_wait3A_223 = tpu.memref_slice %arg12[%dma_wait3A_221, %dma_wait3A_222] : memref<10112x128xf32, #tpu.memory_space<vmem_shared>> -> memref<10112x128xf32, #tpu.memory_space<vmem_shared>>
          tpu.wait_indirect_dma semaphore(%run_scoped3A : memref<!tpu.dma_semaphore, #tpu.memory_space<semaphore_mem>>) src(%arg9 : memref<64x128xf32, #tpu.memory_space<vmem>>) dst(%dma_wait3A_223 : memref<10112x128xf32, #tpu.memory_space<vmem_shared>>)
          tpu.yield
        }) : () -> ()
        %add3A_175 = arith.constant 4 : i32
        %add3A_176 = arith.addi %add3A_168, %add3A_175 : i32
        %lt3A_177 = arith.constant 40 : i32
        %lt3A_178 = arith.cmpi slt, %add3A_176, %lt3A_177 : i32
        %convert_element_type3A_179 = arith.extui %lt3A_178 : i1 to i32
        %cond3A_180 = arith.constant 0 : i32
        %cond3A_181 = arith.cmpi ne, %convert_element_type3A_179, %cond3A_180 : i32
        scf.if %cond3A_181 {
          %add3A_212 = arith.constant 4 : i32
          %add3A_213 = arith.addi %add3A_168, %add3A_212 : i32
          %dma_start3A_214 = arith.constant 0 : i32
          %dma_start3A_215 = tpu.memref_slice %arg6[%add3A_213, %dma_start3A_214] : memref<40x64xi32, #tpu.memory_space<vmem>> -> memref<1x64xi32, #tpu.memory_space<vmem>>
          %dma_start3A_216 = tpu.memref_squeeze %dma_start3A_215 : memref<1x64xi32, #tpu.memory_space<vmem>> -> memref<64xi32, #tpu.memory_space<vmem>>
          %dma_start3A_217 = arith.constant 0 : i32
          %dma_start3A_218 = arith.constant 0 : i32
          %dma_start3A_219 = tpu.memref_slice %arg2[%dma_start3A_217, %dma_start3A_218] : memref<10000x128xf32, #tpu.memory_space<hbm>> -> memref<10000x128xf32, #tpu.memory_space<hbm>>
          tpu.enqueue_indirect_dma source(%dma_start3A_219 : memref<10000x128xf32, #tpu.memory_space<hbm>>) target(%arg9 : memref<64x128xf32, #tpu.memory_space<vmem>>) offsets(%dma_start3A_216 : memref<64xi32, #tpu.memory_space<vmem>>) semaphore(%arg14 : memref<!tpu.dma_semaphore, #tpu.memory_space<semaphore_mem>>)
        } else {
        }
        %add3A_182 = arith.constant 2 : i32
        %add3A_183 = arith.addi %add3A_151, %add3A_182 : i32
        %dma_wait3A_184 = arith.constant 0 : i32
        %dma_wait3A_185 = tpu.memref_slice %arg6[%add3A_183, %dma_wait3A_184] : memref<40x64xi32, #tpu.memory_space<vmem>> -> memref<1x64xi32, #tpu.memory_space<vmem>>
        %dma_wait3A_186 = tpu.memref_squeeze %dma_wait3A_185 : memref<1x64xi32, #tpu.memory_space<vmem>> -> memref<64xi32, #tpu.memory_space<vmem>>
        %dma_wait3A_187 = arith.constant 0 : i32
        %dma_wait3A_188 = arith.constant 0 : i32
        %dma_wait3A_189 = tpu.memref_slice %arg2[%dma_wait3A_187, %dma_wait3A_188] : memref<10000x128xf32, #tpu.memory_space<hbm>> -> memref<10000x128xf32, #tpu.memory_space<hbm>>
        tpu.wait_indirect_dma semaphore(%arg15 : memref<!tpu.dma_semaphore, #tpu.memory_space<semaphore_mem>>) src(%dma_wait3A_189 : memref<10000x128xf32, #tpu.memory_space<hbm>>) dst(%arg10 : memref<64x128xf32, #tpu.memory_space<vmem>>)
        "tpu.region"() ({
          %run_scoped3A = tpu.sem_alloc : memref<!tpu.dma_semaphore, #tpu.memory_space<semaphore_mem>>
          %dma_start3A_212 = arith.constant 0 : i32
          %dma_start3A_213 = tpu.memref_slice %arg7[%add3A_183, %dma_start3A_212] : memref<40x64xi32, #tpu.memory_space<vmem>> -> memref<1x64xi32, #tpu.memory_space<vmem>>
          %dma_start3A_214 = tpu.memref_squeeze %dma_start3A_213 : memref<1x64xi32, #tpu.memory_space<vmem>> -> memref<64xi32, #tpu.memory_space<vmem>>
          %dma_start3A_215 = arith.constant 0 : i32
          %dma_start3A_216 = arith.constant 0 : i32
          %dma_start3A_217 = tpu.memref_slice %arg12[%dma_start3A_215, %dma_start3A_216] : memref<10112x128xf32, #tpu.memory_space<vmem_shared>> -> memref<10112x128xf32, #tpu.memory_space<vmem_shared>>
          tpu.enqueue_indirect_dma source(%arg10 : memref<64x128xf32, #tpu.memory_space<vmem>>) target(%dma_start3A_217 : memref<10112x128xf32, #tpu.memory_space<vmem_shared>>) offsets(%dma_start3A_214 : memref<64xi32, #tpu.memory_space<vmem>>) semaphore(%run_scoped3A : memref<!tpu.dma_semaphore, #tpu.memory_space<semaphore_mem>>) {add = true}
          %dma_wait3A_218 = arith.constant 0 : i32
          %dma_wait3A_219 = tpu.memref_slice %arg7[%add3A_183, %dma_wait3A_218] : memref<40x64xi32, #tpu.memory_space<vmem>> -> memref<1x64xi32, #tpu.memory_space<vmem>>
          %dma_wait3A_220 = tpu.memref_squeeze %dma_wait3A_219 : memref<1x64xi32, #tpu.memory_space<vmem>> -> memref<64xi32, #tpu.memory_space<vmem>>
          %dma_wait3A_221 = arith.constant 0 : i32
          %dma_wait3A_222 = arith.constant 0 : i32
          %dma_wait3A_223 = tpu.memref_slice %arg12[%dma_wait3A_221, %dma_wait3A_222] : memref<10112x128xf32, #tpu.memory_space<vmem_shared>> -> memref<10112x128xf32, #tpu.memory_space<vmem_shared>>
          tpu.wait_indirect_dma semaphore(%run_scoped3A : memref<!tpu.dma_semaphore, #tpu.memory_space<semaphore_mem>>) src(%arg10 : memref<64x128xf32, #tpu.memory_space<vmem>>) dst(%dma_wait3A_223 : memref<10112x128xf32, #tpu.memory_space<vmem_shared>>)
          tpu.yield
        }) : () -> ()
        %add3A_190 = arith.constant 4 : i32
        %add3A_191 = arith.addi %add3A_183, %add3A_190 : i32
        %lt3A_192 = arith.constant 40 : i32
        %lt3A_193 = arith.cmpi slt, %add3A_191, %lt3A_192 : i32
        %convert_element_type3A_194 = arith.extui %lt3A_193 : i1 to i32
        %cond3A_195 = arith.constant 0 : i32
        %cond3A_196 = arith.cmpi ne, %convert_element_type3A_194, %cond3A_195 : i32
        scf.if %cond3A_196 {
          %add3A_212 = arith.constant 4 : i32
          %add3A_213 = arith.addi %add3A_183, %add3A_212 : i32
          %dma_start3A_214 = arith.constant 0 : i32
          %dma_start3A_215 = tpu.memref_slice %arg6[%add3A_213, %dma_start3A_214] : memref<40x64xi32, #tpu.memory_space<vmem>> -> memref<1x64xi32, #tpu.memory_space<vmem>>
          %dma_start3A_216 = tpu.memref_squeeze %dma_start3A_215 : memref<1x64xi32, #tpu.memory_space<vmem>> -> memref<64xi32, #tpu.memory_space<vmem>>
          %dma_start3A_217 = arith.constant 0 : i32
          %dma_start3A_218 = arith.constant 0 : i32
          %dma_start3A_219 = tpu.memref_slice %arg2[%dma_start3A_217, %dma_start3A_218] : memref<10000x128xf32, #tpu.memory_space<hbm>> -> memref<10000x128xf32, #tpu.memory_space<hbm>>
          tpu.enqueue_indirect_dma source(%dma_start3A_219 : memref<10000x128xf32, #tpu.memory_space<hbm>>) target(%arg10 : memref<64x128xf32, #tpu.memory_space<vmem>>) offsets(%dma_start3A_216 : memref<64xi32, #tpu.memory_space<vmem>>) semaphore(%arg15 : memref<!tpu.dma_semaphore, #tpu.memory_space<semaphore_mem>>)
        } else {
        }
        %add3A_197 = arith.constant 3 : i32
        %add3A_198 = arith.addi %add3A_151, %add3A_197 : i32
        %dma_wait3A_199 = arith.constant 0 : i32
        %dma_wait3A_200 = tpu.memref_slice %arg6[%add3A_198, %dma_wait3A_199] : memref<40x64xi32, #tpu.memory_space<vmem>> -> memref<1x64xi32, #tpu.memory_space<vmem>>
        %dma_wait3A_201 = tpu.memref_squeeze %dma_wait3A_200 : memref<1x64xi32, #tpu.memory_space<vmem>> -> memref<64xi32, #tpu.memory_space<vmem>>
        %dma_wait3A_202 = arith.constant 0 : i32
        %dma_wait3A_203 = arith.constant 0 : i32
        %dma_wait3A_204 = tpu.memref_slice %arg2[%dma_wait3A_202, %dma_wait3A_203] : memref<10000x128xf32, #tpu.memory_space<hbm>> -> memref<10000x128xf32, #tpu.memory_space<hbm>>
        tpu.wait_indirect_dma semaphore(%arg16 : memref<!tpu.dma_semaphore, #tpu.memory_space<semaphore_mem>>) src(%dma_wait3A_204 : memref<10000x128xf32, #tpu.memory_space<hbm>>) dst(%arg11 : memref<64x128xf32, #tpu.memory_space<vmem>>)
        "tpu.region"() ({
          %run_scoped3A = tpu.sem_alloc : memref<!tpu.dma_semaphore, #tpu.memory_space<semaphore_mem>>
          %dma_start3A_212 = arith.constant 0 : i32
          %dma_start3A_213 = tpu.memref_slice %arg7[%add3A_198, %dma_start3A_212] : memref<40x64xi32, #tpu.memory_space<vmem>> -> memref<1x64xi32, #tpu.memory_space<vmem>>
          %dma_start3A_214 = tpu.memref_squeeze %dma_start3A_213 : memref<1x64xi32, #tpu.memory_space<vmem>> -> memref<64xi32, #tpu.memory_space<vmem>>
          %dma_start3A_215 = arith.constant 0 : i32
          %dma_start3A_216 = arith.constant 0 : i32
          %dma_start3A_217 = tpu.memref_slice %arg12[%dma_start3A_215, %dma_start3A_216] : memref<10112x128xf32, #tpu.memory_space<vmem_shared>> -> memref<10112x128xf32, #tpu.memory_space<vmem_shared>>
          tpu.enqueue_indirect_dma source(%arg11 : memref<64x128xf32, #tpu.memory_space<vmem>>) target(%dma_start3A_217 : memref<10112x128xf32, #tpu.memory_space<vmem_shared>>) offsets(%dma_start3A_214 : memref<64xi32, #tpu.memory_space<vmem>>) semaphore(%run_scoped3A : memref<!tpu.dma_semaphore, #tpu.memory_space<semaphore_mem>>) {add = true}
          %dma_wait3A_218 = arith.constant 0 : i32
          %dma_wait3A_219 = tpu.memref_slice %arg7[%add3A_198, %dma_wait3A_218] : memref<40x64xi32, #tpu.memory_space<vmem>> -> memref<1x64xi32, #tpu.memory_space<vmem>>
          %dma_wait3A_220 = tpu.memref_squeeze %dma_wait3A_219 : memref<1x64xi32, #tpu.memory_space<vmem>> -> memref<64xi32, #tpu.memory_space<vmem>>
          %dma_wait3A_221 = arith.constant 0 : i32
          %dma_wait3A_222 = arith.constant 0 : i32
          %dma_wait3A_223 = tpu.memref_slice %arg12[%dma_wait3A_221, %dma_wait3A_222] : memref<10112x128xf32, #tpu.memory_space<vmem_shared>> -> memref<10112x128xf32, #tpu.memory_space<vmem_shared>>
          tpu.wait_indirect_dma semaphore(%run_scoped3A : memref<!tpu.dma_semaphore, #tpu.memory_space<semaphore_mem>>) src(%arg11 : memref<64x128xf32, #tpu.memory_space<vmem>>) dst(%dma_wait3A_223 : memref<10112x128xf32, #tpu.memory_space<vmem_shared>>)
          tpu.yield
        }) : () -> ()
        %add3A_205 = arith.constant 4 : i32
        %add3A_206 = arith.addi %add3A_198, %add3A_205 : i32
        %lt3A_207 = arith.constant 40 : i32
        %lt3A_208 = arith.cmpi slt, %add3A_206, %lt3A_207 : i32
        %convert_element_type3A_209 = arith.extui %lt3A_208 : i1 to i32
        %cond3A_210 = arith.constant 0 : i32
        %cond3A_211 = arith.cmpi ne, %convert_element_type3A_209, %cond3A_210 : i32
        scf.if %cond3A_211 {
          %add3A_212 = arith.constant 4 : i32
          %add3A_213 = arith.addi %add3A_198, %add3A_212 : i32
          %dma_start3A_214 = arith.constant 0 : i32
          %dma_start3A_215 = tpu.memref_slice %arg6[%add3A_213, %dma_start3A_214] : memref<40x64xi32, #tpu.memory_space<vmem>> -> memref<1x64xi32, #tpu.memory_space<vmem>>
          %dma_start3A_216 = tpu.memref_squeeze %dma_start3A_215 : memref<1x64xi32, #tpu.memory_space<vmem>> -> memref<64xi32, #tpu.memory_space<vmem>>
          %dma_start3A_217 = arith.constant 0 : i32
          %dma_start3A_218 = arith.constant 0 : i32
          %dma_start3A_219 = tpu.memref_slice %arg2[%dma_start3A_217, %dma_start3A_218] : memref<10000x128xf32, #tpu.memory_space<hbm>> -> memref<10000x128xf32, #tpu.memory_space<hbm>>
          tpu.enqueue_indirect_dma source(%dma_start3A_219 : memref<10000x128xf32, #tpu.memory_space<hbm>>) target(%arg11 : memref<64x128xf32, #tpu.memory_space<vmem>>) offsets(%dma_start3A_216 : memref<64xi32, #tpu.memory_space<vmem>>) semaphore(%arg16 : memref<!tpu.dma_semaphore, #tpu.memory_space<semaphore_mem>>)
        } else {
        }
      }
      %scan3A_146 = arith.constant 10 : i32
    } else {
    }
    %add3A_74 = arith.constant 120 : i32
    %add3A_75 = arith.addi %mul3A_2, %add3A_74 : i32
    %lt3A_76 = arith.constant 5000 : i32
    %lt3A_77 = arith.cmpi slt, %add3A_75, %lt3A_76 : i32
    %convert_element_type3A_78 = arith.extui %lt3A_77 : i1 to i32
    %cond3A_79 = arith.constant 0 : i32
    %cond3A_80 = arith.cmpi ne, %convert_element_type3A_78, %cond3A_79 : i32
    scf.if %cond3A_80 {
      %dma_start3A_86 = arith.constant 0 : i32
      %dma_start3A_87 = arith.constant 0 : i32
      %dma_start3A_88 = tpu.memref_slice %arg3[%dma_start3A_86, %add3A_75, %dma_start3A_87] : memref<2x5000x64xi32, #tpu.memory_space<hbm>> -> memref<1x40x64xi32, #tpu.memory_space<hbm>>
      %dma_start3A_89 = tpu.memref_squeeze %dma_start3A_88 : memref<1x40x64xi32, #tpu.memory_space<hbm>> -> memref<40x64xi32, #tpu.memory_space<hbm>>
      %dma_start3A_90 = arith.constant 0 : i32
      %dma_start3A_91 = tpu.memref_slice %arg3[%dma_start3A_86, %add3A_75, %dma_start3A_90] : memref<2x5000x64xi32, #tpu.memory_space<hbm>> -> memref<1x40x64xi32, #tpu.memory_space<hbm>>
      %dma_start3A_92 = tpu.memref_squeeze %dma_start3A_91 : memref<1x40x64xi32, #tpu.memory_space<hbm>> -> memref<40x64xi32, #tpu.memory_space<hbm>>
      tpu.enqueue_dma source(%dma_start3A_92 : memref<40x64xi32, #tpu.memory_space<hbm>>) target(%arg6 : memref<40x64xi32, #tpu.memory_space<vmem>>) target_semaphore(%arg17 : memref<!tpu.dma_semaphore, #tpu.memory_space<semaphore_mem>>)
      %dma_start3A_93 = arith.constant 1 : i32
      %dma_start3A_94 = arith.constant 0 : i32
      %dma_start3A_95 = tpu.memref_slice %arg3[%dma_start3A_93, %add3A_75, %dma_start3A_94] : memref<2x5000x64xi32, #tpu.memory_space<hbm>> -> memref<1x40x64xi32, #tpu.memory_space<hbm>>
      %dma_start3A_96 = tpu.memref_squeeze %dma_start3A_95 : memref<1x40x64xi32, #tpu.memory_space<hbm>> -> memref<40x64xi32, #tpu.memory_space<hbm>>
      %dma_start3A_97 = arith.constant 0 : i32
      %dma_start3A_98 = tpu.memref_slice %arg3[%dma_start3A_93, %add3A_75, %dma_start3A_97] : memref<2x5000x64xi32, #tpu.memory_space<hbm>> -> memref<1x40x64xi32, #tpu.memory_space<hbm>>
      %dma_start3A_99 = tpu.memref_squeeze %dma_start3A_98 : memref<1x40x64xi32, #tpu.memory_space<hbm>> -> memref<40x64xi32, #tpu.memory_space<hbm>>
      tpu.enqueue_dma source(%dma_start3A_99 : memref<40x64xi32, #tpu.memory_space<hbm>>) target(%arg7 : memref<40x64xi32, #tpu.memory_space<vmem>>) target_semaphore(%arg17 : memref<!tpu.dma_semaphore, #tpu.memory_space<semaphore_mem>>)
      %dma_wait3A_100 = arith.constant 0 : i32
      %dma_wait3A_101 = arith.constant 0 : i32
      %dma_wait3A_102 = tpu.memref_slice %arg3[%dma_wait3A_100, %add3A_75, %dma_wait3A_101] : memref<2x5000x64xi32, #tpu.memory_space<hbm>> -> memref<1x40x64xi32, #tpu.memory_space<hbm>>
      %dma_wait3A_103 = tpu.memref_squeeze %dma_wait3A_102 : memref<1x40x64xi32, #tpu.memory_space<hbm>> -> memref<40x64xi32, #tpu.memory_space<hbm>>
      %dma_wait3A_104 = arith.constant 0 : i32
      %dma_wait3A_105 = tpu.memref_slice %arg3[%dma_wait3A_100, %add3A_75, %dma_wait3A_104] : memref<2x5000x64xi32, #tpu.memory_space<hbm>> -> memref<1x40x64xi32, #tpu.memory_space<hbm>>
      %dma_wait3A_106 = tpu.memref_squeeze %dma_wait3A_105 : memref<1x40x64xi32, #tpu.memory_space<hbm>> -> memref<40x64xi32, #tpu.memory_space<hbm>>
      tpu.wait_dma2 semaphore(%arg17 : memref<!tpu.dma_semaphore, #tpu.memory_space<semaphore_mem>>) src(%dma_wait3A_106 : memref<40x64xi32, #tpu.memory_space<hbm>>) dst(%arg6 : memref<40x64xi32, #tpu.memory_space<vmem>>)
      %dma_wait3A_107 = arith.constant 1 : i32
      %dma_wait3A_108 = arith.constant 0 : i32
      %dma_wait3A_109 = tpu.memref_slice %arg3[%dma_wait3A_107, %add3A_75, %dma_wait3A_108] : memref<2x5000x64xi32, #tpu.memory_space<hbm>> -> memref<1x40x64xi32, #tpu.memory_space<hbm>>
      %dma_wait3A_110 = tpu.memref_squeeze %dma_wait3A_109 : memref<1x40x64xi32, #tpu.memory_space<hbm>> -> memref<40x64xi32, #tpu.memory_space<hbm>>
      %dma_wait3A_111 = arith.constant 0 : i32
      %dma_wait3A_112 = tpu.memref_slice %arg3[%dma_wait3A_107, %add3A_75, %dma_wait3A_111] : memref<2x5000x64xi32, #tpu.memory_space<hbm>> -> memref<1x40x64xi32, #tpu.memory_space<hbm>>
      %dma_wait3A_113 = tpu.memref_squeeze %dma_wait3A_112 : memref<1x40x64xi32, #tpu.memory_space<hbm>> -> memref<40x64xi32, #tpu.memory_space<hbm>>
      tpu.wait_dma2 semaphore(%arg17 : memref<!tpu.dma_semaphore, #tpu.memory_space<semaphore_mem>>) src(%dma_wait3A_113 : memref<40x64xi32, #tpu.memory_space<hbm>>) dst(%arg7 : memref<40x64xi32, #tpu.memory_space<vmem>>)
      %dma_start3A_114 = arith.constant 0 : i32
      %dma_start3A_115 = arith.constant 0 : i32
      %dma_start3A_116 = tpu.memref_slice %arg6[%dma_start3A_114, %dma_start3A_115] : memref<40x64xi32, #tpu.memory_space<vmem>> -> memref<1x64xi32, #tpu.memory_space<vmem>>
      %dma_start3A_117 = tpu.memref_squeeze %dma_start3A_116 : memref<1x64xi32, #tpu.memory_space<vmem>> -> memref<64xi32, #tpu.memory_space<vmem>>
      %dma_start3A_118 = arith.constant 0 : i32
      %dma_start3A_119 = arith.constant 0 : i32
      %dma_start3A_120 = tpu.memref_slice %arg2[%dma_start3A_118, %dma_start3A_119] : memref<10000x128xf32, #tpu.memory_space<hbm>> -> memref<10000x128xf32, #tpu.memory_space<hbm>>
      tpu.enqueue_indirect_dma source(%dma_start3A_120 : memref<10000x128xf32, #tpu.memory_space<hbm>>) target(%arg8 : memref<64x128xf32, #tpu.memory_space<vmem>>) offsets(%dma_start3A_117 : memref<64xi32, #tpu.memory_space<vmem>>) semaphore(%arg13 : memref<!tpu.dma_semaphore, #tpu.memory_space<semaphore_mem>>)
      %dma_start3A_121 = arith.constant 1 : i32
      %dma_start3A_122 = arith.constant 0 : i32
      %dma_start3A_123 = tpu.memref_slice %arg6[%dma_start3A_121, %dma_start3A_122] : memref<40x64xi32, #tpu.memory_space<vmem>> -> memref<1x64xi32, #tpu.memory_space<vmem>>
      %dma_start3A_124 = tpu.memref_squeeze %dma_start3A_123 : memref<1x64xi32, #tpu.memory_space<vmem>> -> memref<64xi32, #tpu.memory_space<vmem>>
      %dma_start3A_125 = arith.constant 0 : i32
      %dma_start3A_126 = arith.constant 0 : i32
      %dma_start3A_127 = tpu.memref_slice %arg2[%dma_start3A_125, %dma_start3A_126] : memref<10000x128xf32, #tpu.memory_space<hbm>> -> memref<10000x128xf32, #tpu.memory_space<hbm>>
      tpu.enqueue_indirect_dma source(%dma_start3A_127 : memref<10000x128xf32, #tpu.memory_space<hbm>>) target(%arg9 : memref<64x128xf32, #tpu.memory_space<vmem>>) offsets(%dma_start3A_124 : memref<64xi32, #tpu.memory_space<vmem>>) semaphore(%arg14 : memref<!tpu.dma_semaphore, #tpu.memory_space<semaphore_mem>>)
      %dma_start3A_128 = arith.constant 2 : i32
      %dma_start3A_129 = arith.constant 0 : i32
      %dma_start3A_130 = tpu.memref_slice %arg6[%dma_start3A_128, %dma_start3A_129] : memref<40x64xi32, #tpu.memory_space<vmem>> -> memref<1x64xi32, #tpu.memory_space<vmem>>
      %dma_start3A_131 = tpu.memref_squeeze %dma_start3A_130 : memref<1x64xi32, #tpu.memory_space<vmem>> -> memref<64xi32, #tpu.memory_space<vmem>>
      %dma_start3A_132 = arith.constant 0 : i32
      %dma_start3A_133 = arith.constant 0 : i32
      %dma_start3A_134 = tpu.memref_slice %arg2[%dma_start3A_132, %dma_start3A_133] : memref<10000x128xf32, #tpu.memory_space<hbm>> -> memref<10000x128xf32, #tpu.memory_space<hbm>>
      tpu.enqueue_indirect_dma source(%dma_start3A_134 : memref<10000x128xf32, #tpu.memory_space<hbm>>) target(%arg10 : memref<64x128xf32, #tpu.memory_space<vmem>>) offsets(%dma_start3A_131 : memref<64xi32, #tpu.memory_space<vmem>>) semaphore(%arg15 : memref<!tpu.dma_semaphore, #tpu.memory_space<semaphore_mem>>)
      %dma_start3A_135 = arith.constant 3 : i32
      %dma_start3A_136 = arith.constant 0 : i32
      %dma_start3A_137 = tpu.memref_slice %arg6[%dma_start3A_135, %dma_start3A_136] : memref<40x64xi32, #tpu.memory_space<vmem>> -> memref<1x64xi32, #tpu.memory_space<vmem>>
      %dma_start3A_138 = tpu.memref_squeeze %dma_start3A_137 : memref<1x64xi32, #tpu.memory_space<vmem>> -> memref<64xi32, #tpu.memory_space<vmem>>
      %dma_start3A_139 = arith.constant 0 : i32
      %dma_start3A_140 = arith.constant 0 : i32
      %dma_start3A_141 = tpu.memref_slice %arg2[%dma_start3A_139, %dma_start3A_140] : memref<10000x128xf32, #tpu.memory_space<hbm>> -> memref<10000x128xf32, #tpu.memory_space<hbm>>
      tpu.enqueue_indirect_dma source(%dma_start3A_141 : memref<10000x128xf32, #tpu.memory_space<hbm>>) target(%arg11 : memref<64x128xf32, #tpu.memory_space<vmem>>) offsets(%dma_start3A_138 : memref<64xi32, #tpu.memory_space<vmem>>) semaphore(%arg16 : memref<!tpu.dma_semaphore, #tpu.memory_space<semaphore_mem>>)
      %scan3A_142 = arith.constant 0 : i32
      %scan3A_143 = arith.constant 10 : i32
      %scan3A_144 = arith.addi %scan3A_142, %scan3A_143 : i32
      %scan3A_145 = arith.constant 1 : i32
      scf.for %scan3A_147 = %scan3A_142 to %scan3A_144 step %scan3A_145  : i32 {
        %mul3A_148 = arith.constant 4 : i32
        %mul3A_149 = arith.muli %scan3A_147, %mul3A_148 : i32
        %add3A_150 = arith.constant 0 : i32
        %add3A_151 = arith.addi %add3A_150, %mul3A_149 : i32
        %add3A_152 = arith.constant 0 : i32
        %add3A_153 = arith.addi %add3A_151, %add3A_152 : i32
        %dma_wait3A_154 = arith.constant 0 : i32
        %dma_wait3A_155 = tpu.memref_slice %arg6[%add3A_153, %dma_wait3A_154] : memref<40x64xi32, #tpu.memory_space<vmem>> -> memref<1x64xi32, #tpu.memory_space<vmem>>
        %dma_wait3A_156 = tpu.memref_squeeze %dma_wait3A_155 : memref<1x64xi32, #tpu.memory_space<vmem>> -> memref<64xi32, #tpu.memory_space<vmem>>
        %dma_wait3A_157 = arith.constant 0 : i32
        %dma_wait3A_158 = arith.constant 0 : i32
        %dma_wait3A_159 = tpu.memref_slice %arg2[%dma_wait3A_157, %dma_wait3A_158] : memref<10000x128xf32, #tpu.memory_space<hbm>> -> memref<10000x128xf32, #tpu.memory_space<hbm>>
        tpu.wait_indirect_dma semaphore(%arg13 : memref<!tpu.dma_semaphore, #tpu.memory_space<semaphore_mem>>) src(%dma_wait3A_159 : memref<10000x128xf32, #tpu.memory_space<hbm>>) dst(%arg8 : memref<64x128xf32, #tpu.memory_space<vmem>>)
        "tpu.region"() ({
          %run_scoped3A = tpu.sem_alloc : memref<!tpu.dma_semaphore, #tpu.memory_space<semaphore_mem>>
          %dma_start3A_212 = arith.constant 0 : i32
          %dma_start3A_213 = tpu.memref_slice %arg7[%add3A_153, %dma_start3A_212] : memref<40x64xi32, #tpu.memory_space<vmem>> -> memref<1x64xi32, #tpu.memory_space<vmem>>
          %dma_start3A_214 = tpu.memref_squeeze %dma_start3A_213 : memref<1x64xi32, #tpu.memory_space<vmem>> -> memref<64xi32, #tpu.memory_space<vmem>>
          %dma_start3A_215 = arith.constant 0 : i32
          %dma_start3A_216 = arith.constant 0 : i32
          %dma_start3A_217 = tpu.memref_slice %arg12[%dma_start3A_215, %dma_start3A_216] : memref<10112x128xf32, #tpu.memory_space<vmem_shared>> -> memref<10112x128xf32, #tpu.memory_space<vmem_shared>>
          tpu.enqueue_indirect_dma source(%arg8 : memref<64x128xf32, #tpu.memory_space<vmem>>) target(%dma_start3A_217 : memref<10112x128xf32, #tpu.memory_space<vmem_shared>>) offsets(%dma_start3A_214 : memref<64xi32, #tpu.memory_space<vmem>>) semaphore(%run_scoped3A : memref<!tpu.dma_semaphore, #tpu.memory_space<semaphore_mem>>) {add = true}
          %dma_wait3A_218 = arith.constant 0 : i32
          %dma_wait3A_219 = tpu.memref_slice %arg7[%add3A_153, %dma_wait3A_218] : memref<40x64xi32, #tpu.memory_space<vmem>> -> memref<1x64xi32, #tpu.memory_space<vmem>>
          %dma_wait3A_220 = tpu.memref_squeeze %dma_wait3A_219 : memref<1x64xi32, #tpu.memory_space<vmem>> -> memref<64xi32, #tpu.memory_space<vmem>>
          %dma_wait3A_221 = arith.constant 0 : i32
          %dma_wait3A_222 = arith.constant 0 : i32
          %dma_wait3A_223 = tpu.memref_slice %arg12[%dma_wait3A_221, %dma_wait3A_222] : memref<10112x128xf32, #tpu.memory_space<vmem_shared>> -> memref<10112x128xf32, #tpu.memory_space<vmem_shared>>
          tpu.wait_indirect_dma semaphore(%run_scoped3A : memref<!tpu.dma_semaphore, #tpu.memory_space<semaphore_mem>>) src(%arg8 : memref<64x128xf32, #tpu.memory_space<vmem>>) dst(%dma_wait3A_223 : memref<10112x128xf32, #tpu.memory_space<vmem_shared>>)
          tpu.yield
        }) : () -> ()
        %add3A_160 = arith.constant 4 : i32
        %add3A_161 = arith.addi %add3A_153, %add3A_160 : i32
        %lt3A_162 = arith.constant 40 : i32
        %lt3A_163 = arith.cmpi slt, %add3A_161, %lt3A_162 : i32
        %convert_element_type3A_164 = arith.extui %lt3A_163 : i1 to i32
        %cond3A_165 = arith.constant 0 : i32
        %cond3A_166 = arith.cmpi ne, %convert_element_type3A_164, %cond3A_165 : i32
        scf.if %cond3A_166 {
          %add3A_212 = arith.constant 4 : i32
          %add3A_213 = arith.addi %add3A_153, %add3A_212 : i32
          %dma_start3A_214 = arith.constant 0 : i32
          %dma_start3A_215 = tpu.memref_slice %arg6[%add3A_213, %dma_start3A_214] : memref<40x64xi32, #tpu.memory_space<vmem>> -> memref<1x64xi32, #tpu.memory_space<vmem>>
          %dma_start3A_216 = tpu.memref_squeeze %dma_start3A_215 : memref<1x64xi32, #tpu.memory_space<vmem>> -> memref<64xi32, #tpu.memory_space<vmem>>
          %dma_start3A_217 = arith.constant 0 : i32
          %dma_start3A_218 = arith.constant 0 : i32
          %dma_start3A_219 = tpu.memref_slice %arg2[%dma_start3A_217, %dma_start3A_218] : memref<10000x128xf32, #tpu.memory_space<hbm>> -> memref<10000x128xf32, #tpu.memory_space<hbm>>
          tpu.enqueue_indirect_dma source(%dma_start3A_219 : memref<10000x128xf32, #tpu.memory_space<hbm>>) target(%arg8 : memref<64x128xf32, #tpu.memory_space<vmem>>) offsets(%dma_start3A_216 : memref<64xi32, #tpu.memory_space<vmem>>) semaphore(%arg13 : memref<!tpu.dma_semaphore, #tpu.memory_space<semaphore_mem>>)
        } else {
        }
        %add3A_167 = arith.constant 1 : i32
        %add3A_168 = arith.addi %add3A_151, %add3A_167 : i32
        %dma_wait3A_169 = arith.constant 0 : i32
        %dma_wait3A_170 = tpu.memref_slice %arg6[%add3A_168, %dma_wait3A_169] : memref<40x64xi32, #tpu.memory_space<vmem>> -> memref<1x64xi32, #tpu.memory_space<vmem>>
        %dma_wait3A_171 = tpu.memref_squeeze %dma_wait3A_170 : memref<1x64xi32, #tpu.memory_space<vmem>> -> memref<64xi32, #tpu.memory_space<vmem>>
        %dma_wait3A_172 = arith.constant 0 : i32
        %dma_wait3A_173 = arith.constant 0 : i32
        %dma_wait3A_174 = tpu.memref_slice %arg2[%dma_wait3A_172, %dma_wait3A_173] : memref<10000x128xf32, #tpu.memory_space<hbm>> -> memref<10000x128xf32, #tpu.memory_space<hbm>>
        tpu.wait_indirect_dma semaphore(%arg14 : memref<!tpu.dma_semaphore, #tpu.memory_space<semaphore_mem>>) src(%dma_wait3A_174 : memref<10000x128xf32, #tpu.memory_space<hbm>>) dst(%arg9 : memref<64x128xf32, #tpu.memory_space<vmem>>)
        "tpu.region"() ({
          %run_scoped3A = tpu.sem_alloc : memref<!tpu.dma_semaphore, #tpu.memory_space<semaphore_mem>>
          %dma_start3A_212 = arith.constant 0 : i32
          %dma_start3A_213 = tpu.memref_slice %arg7[%add3A_168, %dma_start3A_212] : memref<40x64xi32, #tpu.memory_space<vmem>> -> memref<1x64xi32, #tpu.memory_space<vmem>>
          %dma_start3A_214 = tpu.memref_squeeze %dma_start3A_213 : memref<1x64xi32, #tpu.memory_space<vmem>> -> memref<64xi32, #tpu.memory_space<vmem>>
          %dma_start3A_215 = arith.constant 0 : i32
          %dma_start3A_216 = arith.constant 0 : i32
          %dma_start3A_217 = tpu.memref_slice %arg12[%dma_start3A_215, %dma_start3A_216] : memref<10112x128xf32, #tpu.memory_space<vmem_shared>> -> memref<10112x128xf32, #tpu.memory_space<vmem_shared>>
          tpu.enqueue_indirect_dma source(%arg9 : memref<64x128xf32, #tpu.memory_space<vmem>>) target(%dma_start3A_217 : memref<10112x128xf32, #tpu.memory_space<vmem_shared>>) offsets(%dma_start3A_214 : memref<64xi32, #tpu.memory_space<vmem>>) semaphore(%run_scoped3A : memref<!tpu.dma_semaphore, #tpu.memory_space<semaphore_mem>>) {add = true}
          %dma_wait3A_218 = arith.constant 0 : i32
          %dma_wait3A_219 = tpu.memref_slice %arg7[%add3A_168, %dma_wait3A_218] : memref<40x64xi32, #tpu.memory_space<vmem>> -> memref<1x64xi32, #tpu.memory_space<vmem>>
          %dma_wait3A_220 = tpu.memref_squeeze %dma_wait3A_219 : memref<1x64xi32, #tpu.memory_space<vmem>> -> memref<64xi32, #tpu.memory_space<vmem>>
          %dma_wait3A_221 = arith.constant 0 : i32
          %dma_wait3A_222 = arith.constant 0 : i32
          %dma_wait3A_223 = tpu.memref_slice %arg12[%dma_wait3A_221, %dma_wait3A_222] : memref<10112x128xf32, #tpu.memory_space<vmem_shared>> -> memref<10112x128xf32, #tpu.memory_space<vmem_shared>>
          tpu.wait_indirect_dma semaphore(%run_scoped3A : memref<!tpu.dma_semaphore, #tpu.memory_space<semaphore_mem>>) src(%arg9 : memref<64x128xf32, #tpu.memory_space<vmem>>) dst(%dma_wait3A_223 : memref<10112x128xf32, #tpu.memory_space<vmem_shared>>)
          tpu.yield
        }) : () -> ()
        %add3A_175 = arith.constant 4 : i32
        %add3A_176 = arith.addi %add3A_168, %add3A_175 : i32
        %lt3A_177 = arith.constant 40 : i32
        %lt3A_178 = arith.cmpi slt, %add3A_176, %lt3A_177 : i32
        %convert_element_type3A_179 = arith.extui %lt3A_178 : i1 to i32
        %cond3A_180 = arith.constant 0 : i32
        %cond3A_181 = arith.cmpi ne, %convert_element_type3A_179, %cond3A_180 : i32
        scf.if %cond3A_181 {
          %add3A_212 = arith.constant 4 : i32
          %add3A_213 = arith.addi %add3A_168, %add3A_212 : i32
          %dma_start3A_214 = arith.constant 0 : i32
          %dma_start3A_215 = tpu.memref_slice %arg6[%add3A_213, %dma_start3A_214] : memref<40x64xi32, #tpu.memory_space<vmem>> -> memref<1x64xi32, #tpu.memory_space<vmem>>
          %dma_start3A_216 = tpu.memref_squeeze %dma_start3A_215 : memref<1x64xi32, #tpu.memory_space<vmem>> -> memref<64xi32, #tpu.memory_space<vmem>>
          %dma_start3A_217 = arith.constant 0 : i32
          %dma_start3A_218 = arith.constant 0 : i32
          %dma_start3A_219 = tpu.memref_slice %arg2[%dma_start3A_217, %dma_start3A_218] : memref<10000x128xf32, #tpu.memory_space<hbm>> -> memref<10000x128xf32, #tpu.memory_space<hbm>>
          tpu.enqueue_indirect_dma source(%dma_start3A_219 : memref<10000x128xf32, #tpu.memory_space<hbm>>) target(%arg9 : memref<64x128xf32, #tpu.memory_space<vmem>>) offsets(%dma_start3A_216 : memref<64xi32, #tpu.memory_space<vmem>>) semaphore(%arg14 : memref<!tpu.dma_semaphore, #tpu.memory_space<semaphore_mem>>)
        } else {
        }
        %add3A_182 = arith.constant 2 : i32
        %add3A_183 = arith.addi %add3A_151, %add3A_182 : i32
        %dma_wait3A_184 = arith.constant 0 : i32
        %dma_wait3A_185 = tpu.memref_slice %arg6[%add3A_183, %dma_wait3A_184] : memref<40x64xi32, #tpu.memory_space<vmem>> -> memref<1x64xi32, #tpu.memory_space<vmem>>
        %dma_wait3A_186 = tpu.memref_squeeze %dma_wait3A_185 : memref<1x64xi32, #tpu.memory_space<vmem>> -> memref<64xi32, #tpu.memory_space<vmem>>
        %dma_wait3A_187 = arith.constant 0 : i32
        %dma_wait3A_188 = arith.constant 0 : i32
        %dma_wait3A_189 = tpu.memref_slice %arg2[%dma_wait3A_187, %dma_wait3A_188] : memref<10000x128xf32, #tpu.memory_space<hbm>> -> memref<10000x128xf32, #tpu.memory_space<hbm>>
        tpu.wait_indirect_dma semaphore(%arg15 : memref<!tpu.dma_semaphore, #tpu.memory_space<semaphore_mem>>) src(%dma_wait3A_189 : memref<10000x128xf32, #tpu.memory_space<hbm>>) dst(%arg10 : memref<64x128xf32, #tpu.memory_space<vmem>>)
        "tpu.region"() ({
          %run_scoped3A = tpu.sem_alloc : memref<!tpu.dma_semaphore, #tpu.memory_space<semaphore_mem>>
          %dma_start3A_212 = arith.constant 0 : i32
          %dma_start3A_213 = tpu.memref_slice %arg7[%add3A_183, %dma_start3A_212] : memref<40x64xi32, #tpu.memory_space<vmem>> -> memref<1x64xi32, #tpu.memory_space<vmem>>
          %dma_start3A_214 = tpu.memref_squeeze %dma_start3A_213 : memref<1x64xi32, #tpu.memory_space<vmem>> -> memref<64xi32, #tpu.memory_space<vmem>>
          %dma_start3A_215 = arith.constant 0 : i32
          %dma_start3A_216 = arith.constant 0 : i32
          %dma_start3A_217 = tpu.memref_slice %arg12[%dma_start3A_215, %dma_start3A_216] : memref<10112x128xf32, #tpu.memory_space<vmem_shared>> -> memref<10112x128xf32, #tpu.memory_space<vmem_shared>>
          tpu.enqueue_indirect_dma source(%arg10 : memref<64x128xf32, #tpu.memory_space<vmem>>) target(%dma_start3A_217 : memref<10112x128xf32, #tpu.memory_space<vmem_shared>>) offsets(%dma_start3A_214 : memref<64xi32, #tpu.memory_space<vmem>>) semaphore(%run_scoped3A : memref<!tpu.dma_semaphore, #tpu.memory_space<semaphore_mem>>) {add = true}
          %dma_wait3A_218 = arith.constant 0 : i32
          %dma_wait3A_219 = tpu.memref_slice %arg7[%add3A_183, %dma_wait3A_218] : memref<40x64xi32, #tpu.memory_space<vmem>> -> memref<1x64xi32, #tpu.memory_space<vmem>>
          %dma_wait3A_220 = tpu.memref_squeeze %dma_wait3A_219 : memref<1x64xi32, #tpu.memory_space<vmem>> -> memref<64xi32, #tpu.memory_space<vmem>>
          %dma_wait3A_221 = arith.constant 0 : i32
          %dma_wait3A_222 = arith.constant 0 : i32
          %dma_wait3A_223 = tpu.memref_slice %arg12[%dma_wait3A_221, %dma_wait3A_222] : memref<10112x128xf32, #tpu.memory_space<vmem_shared>> -> memref<10112x128xf32, #tpu.memory_space<vmem_shared>>
          tpu.wait_indirect_dma semaphore(%run_scoped3A : memref<!tpu.dma_semaphore, #tpu.memory_space<semaphore_mem>>) src(%arg10 : memref<64x128xf32, #tpu.memory_space<vmem>>) dst(%dma_wait3A_223 : memref<10112x128xf32, #tpu.memory_space<vmem_shared>>)
          tpu.yield
        }) : () -> ()
        %add3A_190 = arith.constant 4 : i32
        %add3A_191 = arith.addi %add3A_183, %add3A_190 : i32
        %lt3A_192 = arith.constant 40 : i32
        %lt3A_193 = arith.cmpi slt, %add3A_191, %lt3A_192 : i32
        %convert_element_type3A_194 = arith.extui %lt3A_193 : i1 to i32
        %cond3A_195 = arith.constant 0 : i32
        %cond3A_196 = arith.cmpi ne, %convert_element_type3A_194, %cond3A_195 : i32
        scf.if %cond3A_196 {
          %add3A_212 = arith.constant 4 : i32
          %add3A_213 = arith.addi %add3A_183, %add3A_212 : i32
          %dma_start3A_214 = arith.constant 0 : i32
          %dma_start3A_215 = tpu.memref_slice %arg6[%add3A_213, %dma_start3A_214] : memref<40x64xi32, #tpu.memory_space<vmem>> -> memref<1x64xi32, #tpu.memory_space<vmem>>
          %dma_start3A_216 = tpu.memref_squeeze %dma_start3A_215 : memref<1x64xi32, #tpu.memory_space<vmem>> -> memref<64xi32, #tpu.memory_space<vmem>>
          %dma_start3A_217 = arith.constant 0 : i32
          %dma_start3A_218 = arith.constant 0 : i32
          %dma_start3A_219 = tpu.memref_slice %arg2[%dma_start3A_217, %dma_start3A_218] : memref<10000x128xf32, #tpu.memory_space<hbm>> -> memref<10000x128xf32, #tpu.memory_space<hbm>>
          tpu.enqueue_indirect_dma source(%dma_start3A_219 : memref<10000x128xf32, #tpu.memory_space<hbm>>) target(%arg10 : memref<64x128xf32, #tpu.memory_space<vmem>>) offsets(%dma_start3A_216 : memref<64xi32, #tpu.memory_space<vmem>>) semaphore(%arg15 : memref<!tpu.dma_semaphore, #tpu.memory_space<semaphore_mem>>)
        } else {
        }
        %add3A_197 = arith.constant 3 : i32
        %add3A_198 = arith.addi %add3A_151, %add3A_197 : i32
        %dma_wait3A_199 = arith.constant 0 : i32
        %dma_wait3A_200 = tpu.memref_slice %arg6[%add3A_198, %dma_wait3A_199] : memref<40x64xi32, #tpu.memory_space<vmem>> -> memref<1x64xi32, #tpu.memory_space<vmem>>
        %dma_wait3A_201 = tpu.memref_squeeze %dma_wait3A_200 : memref<1x64xi32, #tpu.memory_space<vmem>> -> memref<64xi32, #tpu.memory_space<vmem>>
        %dma_wait3A_202 = arith.constant 0 : i32
        %dma_wait3A_203 = arith.constant 0 : i32
        %dma_wait3A_204 = tpu.memref_slice %arg2[%dma_wait3A_202, %dma_wait3A_203] : memref<10000x128xf32, #tpu.memory_space<hbm>> -> memref<10000x128xf32, #tpu.memory_space<hbm>>
        tpu.wait_indirect_dma semaphore(%arg16 : memref<!tpu.dma_semaphore, #tpu.memory_space<semaphore_mem>>) src(%dma_wait3A_204 : memref<10000x128xf32, #tpu.memory_space<hbm>>) dst(%arg11 : memref<64x128xf32, #tpu.memory_space<vmem>>)
        "tpu.region"() ({
          %run_scoped3A = tpu.sem_alloc : memref<!tpu.dma_semaphore, #tpu.memory_space<semaphore_mem>>
          %dma_start3A_212 = arith.constant 0 : i32
          %dma_start3A_213 = tpu.memref_slice %arg7[%add3A_198, %dma_start3A_212] : memref<40x64xi32, #tpu.memory_space<vmem>> -> memref<1x64xi32, #tpu.memory_space<vmem>>
          %dma_start3A_214 = tpu.memref_squeeze %dma_start3A_213 : memref<1x64xi32, #tpu.memory_space<vmem>> -> memref<64xi32, #tpu.memory_space<vmem>>
          %dma_start3A_215 = arith.constant 0 : i32
          %dma_start3A_216 = arith.constant 0 : i32
          %dma_start3A_217 = tpu.memref_slice %arg12[%dma_start3A_215, %dma_start3A_216] : memref<10112x128xf32, #tpu.memory_space<vmem_shared>> -> memref<10112x128xf32, #tpu.memory_space<vmem_shared>>
          tpu.enqueue_indirect_dma source(%arg11 : memref<64x128xf32, #tpu.memory_space<vmem>>) target(%dma_start3A_217 : memref<10112x128xf32, #tpu.memory_space<vmem_shared>>) offsets(%dma_start3A_214 : memref<64xi32, #tpu.memory_space<vmem>>) semaphore(%run_scoped3A : memref<!tpu.dma_semaphore, #tpu.memory_space<semaphore_mem>>) {add = true}
          %dma_wait3A_218 = arith.constant 0 : i32
          %dma_wait3A_219 = tpu.memref_slice %arg7[%add3A_198, %dma_wait3A_218] : memref<40x64xi32, #tpu.memory_space<vmem>> -> memref<1x64xi32, #tpu.memory_space<vmem>>
          %dma_wait3A_220 = tpu.memref_squeeze %dma_wait3A_219 : memref<1x64xi32, #tpu.memory_space<vmem>> -> memref<64xi32, #tpu.memory_space<vmem>>
          %dma_wait3A_221 = arith.constant 0 : i32
          %dma_wait3A_222 = arith.constant 0 : i32
          %dma_wait3A_223 = tpu.memref_slice %arg12[%dma_wait3A_221, %dma_wait3A_222] : memref<10112x128xf32, #tpu.memory_space<vmem_shared>> -> memref<10112x128xf32, #tpu.memory_space<vmem_shared>>
          tpu.wait_indirect_dma semaphore(%run_scoped3A : memref<!tpu.dma_semaphore, #tpu.memory_space<semaphore_mem>>) src(%arg11 : memref<64x128xf32, #tpu.memory_space<vmem>>) dst(%dma_wait3A_223 : memref<10112x128xf32, #tpu.memory_space<vmem_shared>>)
          tpu.yield
        }) : () -> ()
        %add3A_205 = arith.constant 4 : i32
        %add3A_206 = arith.addi %add3A_198, %add3A_205 : i32
        %lt3A_207 = arith.constant 40 : i32
        %lt3A_208 = arith.cmpi slt, %add3A_206, %lt3A_207 : i32
        %convert_element_type3A_209 = arith.extui %lt3A_208 : i1 to i32
        %cond3A_210 = arith.constant 0 : i32
        %cond3A_211 = arith.cmpi ne, %convert_element_type3A_209, %cond3A_210 : i32
        scf.if %cond3A_211 {
          %add3A_212 = arith.constant 4 : i32
          %add3A_213 = arith.addi %add3A_198, %add3A_212 : i32
          %dma_start3A_214 = arith.constant 0 : i32
          %dma_start3A_215 = tpu.memref_slice %arg6[%add3A_213, %dma_start3A_214] : memref<40x64xi32, #tpu.memory_space<vmem>> -> memref<1x64xi32, #tpu.memory_space<vmem>>
          %dma_start3A_216 = tpu.memref_squeeze %dma_start3A_215 : memref<1x64xi32, #tpu.memory_space<vmem>> -> memref<64xi32, #tpu.memory_space<vmem>>
          %dma_start3A_217 = arith.constant 0 : i32
          %dma_start3A_218 = arith.constant 0 : i32
          %dma_start3A_219 = tpu.memref_slice %arg2[%dma_start3A_217, %dma_start3A_218] : memref<10000x128xf32, #tpu.memory_space<hbm>> -> memref<10000x128xf32, #tpu.memory_space<hbm>>
          tpu.enqueue_indirect_dma source(%dma_start3A_219 : memref<10000x128xf32, #tpu.memory_space<hbm>>) target(%arg11 : memref<64x128xf32, #tpu.memory_space<vmem>>) offsets(%dma_start3A_216 : memref<64xi32, #tpu.memory_space<vmem>>) semaphore(%arg16 : memref<!tpu.dma_semaphore, #tpu.memory_space<semaphore_mem>>)
        } else {
        }
      }
      %scan3A_146 = arith.constant 10 : i32
    } else {
    }
    %barrier3A_81 = arith.constant 0 : index
    tpu.barrier barrier_id(%barrier3A_81)
    %mul3A_82 = arith.constant 632 : i32
    %mul3A_83 = arith.muli %arg1, %mul3A_82 : i32
    %mul3A_84 = arith.constant 632 : i32
    %mul3A_85 = arith.muli %arg1, %mul3A_84 : i32
    "tpu.region"() ({
      %run_scoped3A = tpu.sem_alloc : memref<!tpu.dma_semaphore, #tpu.memory_space<semaphore_mem>>
      %dma_start3A_86 = arith.constant 0 : i32
      %dma_start3A_87 = tpu.memref_slice %arg5[%arg0, %mul3A_85, %dma_start3A_86] : memref<2x10112x128xf32, #tpu.memory_space<hbm>> -> memref<1x632x128xf32, #tpu.memory_space<hbm>>
      %dma_start3A_88 = tpu.memref_squeeze %dma_start3A_87 : memref<1x632x128xf32, #tpu.memory_space<hbm>> -> memref<632x128xf32, #tpu.memory_space<hbm>>
      %dma_start3A_89 = arith.constant 0 : i32
      %dma_start3A_90 = tpu.memref_slice %arg12[%mul3A_83, %dma_start3A_89] : memref<10112x128xf32, #tpu.memory_space<vmem_shared>> -> memref<632x128xf32, #tpu.memory_space<vmem_shared>>
      tpu.enqueue_dma source(%dma_start3A_90 : memref<632x128xf32, #tpu.memory_space<vmem_shared>>) target(%dma_start3A_88 : memref<632x128xf32, #tpu.memory_space<hbm>>) target_semaphore(%run_scoped3A : memref<!tpu.dma_semaphore, #tpu.memory_space<semaphore_mem>>)
      %dma_wait3A_91 = arith.constant 0 : i32
      %dma_wait3A_92 = tpu.memref_slice %arg5[%arg0, %mul3A_85, %dma_wait3A_91] : memref<2x10112x128xf32, #tpu.memory_space<hbm>> -> memref<1x632x128xf32, #tpu.memory_space<hbm>>
      %dma_wait3A_93 = tpu.memref_squeeze %dma_wait3A_92 : memref<1x632x128xf32, #tpu.memory_space<hbm>> -> memref<632x128xf32, #tpu.memory_space<hbm>>
      %dma_wait3A_94 = arith.constant 0 : i32
      %dma_wait3A_95 = tpu.memref_slice %arg12[%mul3A_83, %dma_wait3A_94] : memref<10112x128xf32, #tpu.memory_space<vmem_shared>> -> memref<632x128xf32, #tpu.memory_space<vmem_shared>>
      tpu.wait_dma2 semaphore(%run_scoped3A : memref<!tpu.dma_semaphore, #tpu.memory_space<semaphore_mem>>) src(%dma_wait3A_95 : memref<632x128xf32, #tpu.memory_space<vmem_shared>>) dst(%dma_wait3A_93 : memref<632x128xf32, #tpu.memory_space<hbm>>)
      tpu.yield
    }) : () -> ()
    return
  }
}

module attributes {stable_mosaic.version = 14 : i64} {
  func.func @_post_body(%arg0: i32, %arg1: memref<2x1000x128xf32, #tpu.memory_space<vmem>>, %arg2: memref<1000x128xf32, #tpu.memory_space<vmem>>, %arg3: memref<128x128xf32, #tpu.memory_space<vmem>>, %arg4: memref<128x128xf32, #tpu.memory_space<vmem>>, %arg5: memref<1x128xf32, #tpu.memory_space<vmem>>, %arg6: memref<1000x128xf32, #tpu.memory_space<vmem>>) attributes {dimension_semantics = [#tpu.dimension_semantics<arbitrary>], iteration_bounds = array<i64: 10>, scalar_prefetch = 0 : i64, scratch_operands = 0 : i64, tpu.core_type = #tpu.core_type<tc>, window_params = [{transform_indices = @transform_0, window_bounds = array<i64: 2, 1000, 128>}, {transform_indices = @transform_1, window_bounds = array<i64: 1000, 128>}, {pipeline_mode = #tpu.pipeline_mode<synchronous>, transform_indices = @transform_2, window_bounds = array<i64: 128, 128>}, {pipeline_mode = #tpu.pipeline_mode<synchronous>, transform_indices = @transform_3, window_bounds = array<i64: 128, 128>}, {pipeline_mode = #tpu.pipeline_mode<synchronous>, transform_indices = @transform_4, window_bounds = array<i64: 1, 128>}, {transform_indices = @transform_5, window_bounds = array<i64: 1000, 128>}]} {
    %get3A = arith.constant 0 : index
    %get3A_0 = arith.constant 0 : index
    %get3A_1 = arith.constant 0 : index
    %get3A_2 = vector.load %arg1[%get3A, %get3A_0, %get3A_1] : memref<2x1000x128xf32, #tpu.memory_space<vmem>>, vector<1x1000x128xf32>
    %get3A_3 = vector.shape_cast %get3A_2 : vector<1x1000x128xf32> to vector<1000x128xf32>
    %get3A_4 = arith.constant 1 : index
    %get3A_5 = arith.constant 0 : index
    %get3A_6 = arith.constant 0 : index
    %get3A_7 = vector.load %arg1[%get3A_4, %get3A_5, %get3A_6] : memref<2x1000x128xf32, #tpu.memory_space<vmem>>, vector<1x1000x128xf32>
    %get3A_8 = vector.shape_cast %get3A_7 : vector<1x1000x128xf32> to vector<1000x128xf32>
    %add3A = arith.addf %get3A_3, %get3A_8 : vector<1000x128xf32>
    %get3A_9 = arith.constant 0 : index
    %get3A_10 = arith.constant 0 : index
    %get3A_11 = vector.load %arg3[%get3A_9, %get3A_10] : memref<128x128xf32, #tpu.memory_space<vmem>>, vector<128x128xf32>
    %dot_general3A = arith.constant dense<0.000000e+00> : vector<1000x128xf32>
    %dot_general3A_12 = tpu.matmul %add3A, %get3A_11, %dot_general3A {dimension_numbers = #tpu.dot_dimension_numbers<[1], [0], [0], [1], [0, 0, 1, 1], [], []>, transpose_lhs_hint = false} : vector<1000x128xf32>, vector<128x128xf32>, vector<1000x128xf32> -> vector<1000x128xf32>
    %get3A_13 = arith.constant 0 : index
    %get3A_14 = arith.constant 0 : index
    %get3A_15 = vector.load %arg2[%get3A_13, %get3A_14] : memref<1000x128xf32, #tpu.memory_space<vmem>>, vector<1000x128xf32>
    %get3A_16 = arith.constant 0 : index
    %get3A_17 = arith.constant 0 : index
    %get3A_18 = vector.load %arg4[%get3A_16, %get3A_17] : memref<128x128xf32, #tpu.memory_space<vmem>>, vector<128x128xf32>
    %dot_general3A_19 = arith.constant dense<0.000000e+00> : vector<1000x128xf32>
    %dot_general3A_20 = tpu.matmul %get3A_15, %get3A_18, %dot_general3A_19 {dimension_numbers = #tpu.dot_dimension_numbers<[1], [0], [0], [1], [0, 0, 1, 1], [], []>, transpose_lhs_hint = false} : vector<1000x128xf32>, vector<128x128xf32>, vector<1000x128xf32> -> vector<1000x128xf32>
    %add3A_21 = arith.addf %dot_general3A_12, %dot_general3A_20 : vector<1000x128xf32>
    %get3A_22 = arith.constant 0 : index
    %get3A_23 = arith.constant 0 : index
    %get3A_24 = vector.load %arg5[%get3A_22, %get3A_23] : memref<1x128xf32, #tpu.memory_space<vmem>>, vector<1x128xf32>
    %add3A_25 = vector.broadcast %get3A_24 : vector<1x128xf32> to vector<1000x128xf32>
    %add3A_26 = arith.addf %add3A_21, %add3A_25 : vector<1000x128xf32>
    %max3A = arith.constant 0.000000e+00 : f32
    %max3A_27 = vector.broadcast %max3A : f32 to vector<1000x128xf32>
    %max3A_28 = arith.maximumf %add3A_26, %max3A_27 : vector<1000x128xf32>
    %swap3A = arith.constant 0 : index
    %swap3A_29 = arith.constant 0 : index
    %swap3A_30 = vector.load %arg6[%swap3A, %swap3A_29] : memref<1000x128xf32, #tpu.memory_space<vmem>>, vector<1000x128xf32>
    tpu.vector_store %arg6[%swap3A, %swap3A_29], %max3A_28 {strides = array<i32>} : memref<1000x128xf32, #tpu.memory_space<vmem>>, vector<1000x128xf32>,
    return
  }
  func.func @transform_0(%arg0: i32) -> (i32, i32, i32) {
    %c0_i32 = arith.constant 0 : i32
    %c0_i32_0 = arith.constant 0 : i32
    %c0_i32_1 = arith.constant 0 : i32
    return %c0_i32, %arg0, %c0_i32_0 : i32, i32, i32
  }
  func.func @transform_1(%arg0: i32) -> (i32, i32) {
    %c0_i32 = arith.constant 0 : i32
    %c0_i32_0 = arith.constant 0 : i32
    return %arg0, %c0_i32 : i32, i32
  }
  func.func @transform_2(%arg0: i32) -> (i32, i32) {
    %c0_i32 = arith.constant 0 : i32
    %c0_i32_0 = arith.constant 0 : i32
    %c0_i32_1 = arith.constant 0 : i32
    return %c0_i32, %c0_i32_0 : i32, i32
  }
  func.func @transform_3(%arg0: i32) -> (i32, i32) {
    %c0_i32 = arith.constant 0 : i32
    %c0_i32_0 = arith.constant 0 : i32
    %c0_i32_1 = arith.constant 0 : i32
    return %c0_i32, %c0_i32_0 : i32, i32
  }
  func.func @transform_4(%arg0: i32) -> (i32, i32) {
    %c0_i32 = arith.constant 0 : i32
    %c0_i32_0 = arith.constant 0 : i32
    %c0_i32_1 = arith.constant 0 : i32
    return %c0_i32, %c0_i32_0 : i32, i32
  }
  func.func @transform_5(%arg0: i32) -> (i32, i32) {
    %c0_i32 = arith.constant 0 : i32
    %c0_i32_0 = arith.constant 0 : i32
    return %arg0, %c0_i32 : i32, i32
  }
}

</mosaic_0001>

<sc_bundles>
// kernel: kernel.4.cloned.1.call-start
scs
__scs_entry_jumppad:
0x0: {  	(pc) =	sbr.rel $0x88, $3  }
0x1: {  	(tag) =	ssettag $0x0;
	lr =	simm.s32 $0x1  }
0x2: {  	[smem:$0x3F9C] =	sst lr;
	_ =	strace $0xD0000000  }
0x3: {  	_ = 	snop  }
0x4: {  	_ = 	snop  }
0x5: {  	_ = 	snop  }
0x6: {  	_ = 	snop  }
0x7: {  	_ = 	snop  }
__scs_overlays_trampoline_lowered:
0x8: {  	[smem:$0x3FAB] =	sst s0  }
0x9: {  	[smem:$0x3FAC] =	sst s1  }
0xa: {  	[smem:$0x3FAD] =	sst s2  }
0xb: {  	[smem:$0x3FAE] =	sst s3  }
0xc: {  	[smem:$0x3FAF] =	sst s4  }
0xd: {  	[smem:$0x3FB0] =	sst s5  }
0xe: {  	[smem:$0x3FB1] =	sst s6  }
0xf: {  	[smem:$0x3FB2] =	sst s7  }
0x10: {  	[smem:$0x3FB3] =	sst s8  }
0x11: {  	[smem:$0x3FB4] =	sst s9;
	s0 =	simm.s32 @!p0 $0x0  }
0x12: {  	s1 =	sld [smem:$0x3F9A];
	s0 =	simm.s32 @p0 $0x1  }
0x13: {  	[smem:$0x3FB5] =	sst s0;
	s0 =	simm.s32 @!p1 $0x0  }
0x14: {  	s2 =	sld [smem:$0x3F99];
	s0 =	simm.s32 @p1 $0x1  }
0x15: {  	[smem:$0x3FB6] =	sst s0;
	s0 =	simm.s32 @!p2 $0x0  }
0x16: {  	s3 =	sld [smem:$0x3FDB];
	s0 =	simm.s32 @p2 $0x1  }
0x17: {  	s4 =	simm.s32 $0x1BF5;
	[smem:$0x3FB8] =	sst s0  }
0x18: {  	s0 =	sld [smem:$0x3F9B];
	_ =	swait.ge [sflag:s4], $0x0  }
0x19: {  	s7 =	sld [smem:$0x3F9C]  }
0x1a: {  	s8 =	sadd.s32 $0xFFFFE003, lr  }
0x1b: {  	s9 =	sadd.s32 $0xFFFFFEF7, lr;
	s5 =	simm.s32 $0xFFFFFFFF;
	p2 =	slt.u32 s8, $0xFFFFF086  }
0x1c: {  	p1 =	slt.u32 s9, $0xF7A;
	s5 =	simm.s32 @!p2 $0x0  }
0x1d: {  	s5 =	simm.s32 @p1 $0x1;
	p0 =	seq.s32 s7, s2  }
0x1e: {  	s7 =	smul.u32 @!p0 $0xF7A, s2;
	p2 =	seq.s32 @!p0 s5, $0x0  }
0x1f: {  	s9 =	smul.u32 $0xF7A, s1;
	s8 =	simm.s32 @!p0 $0x1BF5;
	p2 =	por !p2, p0  }
0x20: {  	[sflag:s8] =	ssyncset.s32 @!p0 $0xFFFFF086;
	s6 =	sadd.s32 @!p0 s3, s7;
	s7 =	simm.s32 @!p0 $0x108  }
0x21: {  	s3 =	sadd.s32 s3, s9;
	s6 =	sadd.s32 @!p0 $0x88, s6;
	s7 =	simm.s32 @p2 $0x1082  }
0x22: {  	[simem:s7], [sflag:s8] =	dma.local @!p0 [hbm:s6], $0xF7A  }
0x23: {  	s9 =	sor.u32 $0xD0000000, s2;
	s6 =	simm.s32 $0x108;
	_ =	swait.ge @!p0 [sflag:s8], $0x0  }
0x24: {  	s3 =	sadd.s32 $0x88, s3;
	s6 =	simm.s32 @!p1 $0x1082;
	[sflag:s4] =	ssyncset.s32 $0xFFFFF086  }
0x25: {  	[simem:s6], [sflag:s4] =	dma.local [hbm:s3], $0xF7A  }
0x26: {  	[smem:$0x3F9C] =	sst s1;
	(tag) =	ssettag s2;
	_ =	strace s9  }
0x27: {  	s1 =	sld [smem:$0x3FAC]  }
0x28: {  	s2 =	sld [smem:$0x3FAD]  }
0x29: {  	s4 =	sld [smem:$0x3FAF]  }
0x2a: {  	p0 =	seq.s32 s5, $0x0;
	s5 =	sld [smem:$0x3FB0]  }
0x2b: {  	s6 =	sld [smem:$0x3FB1]  }
0x2c: {  	s7 =	sld [smem:$0x3FB2]  }
0x2d: {  	s3 =	simm.s32 $0x108;
	s8 =	sld [smem:$0x3FB3]  }
0x2e: {  	s3 =	simm.s32 @!p0 $0x1082;
	s9 =	sld [smem:$0x3FB4]  }
0x2f: {  	lr =	sadd.s32 s0, s3;
	s0 =	sld [smem:$0x3FAB]  }
0x30: {  	s3 =	sld [smem:$0x3FAE]  }
0x31: {  	[smem:$0x3FB7] =	sst s10  }
0x32: {  	s10 =	sld [smem:$0x3FB5];
	_ =	sdelay $0x3  }
0x33: {  	p0 =	seq.s32 s10, $0x1;
	s10 =	sld [smem:$0x3FB7];
	_ =	sdelay $0x3  }
0x34: {  	[smem:$0x3FB7] =	sst s10  }
0x35: {  	s10 =	sld [smem:$0x3FB6];
	_ =	sdelay $0x3  }
0x36: {  	p1 =	seq.s32 s10, $0x1;
	s10 =	sld [smem:$0x3FB7];
	_ =	sdelay $0x3  }
0x37: {  	[smem:$0x3FB7] =	sst s10  }
0x38: {  	s10 =	sld [smem:$0x3FB8]  }
0x39: {  	_ = 	snop;
	(pc) =	sbr.ind lr, $3  }
0x3a: {  	_ = 	snop  }
0x3b: {  	_ = 	snop  }
0x3c: {  	p2 =	seq.s32 s10, $0x1;
	s10 =	sld [smem:$0x3FB7]  }
0x3d: {  	_ =	shalt  }
0x3e: {  	_ =	shalt  }
0x3f: {  	_ =	shalt  }
0x40: {  	_ =	shalt  }
0x41: {  	_ =	shalt  }
0x42: {  	_ =	shalt  }
0x43: {  	_ =	shalt  }
0x44: {  	_ =	shalt  }
0x45: {  	_ =	shalt  }
0x46: {  	_ =	shalt  }
0x47: {  	_ =	shalt  }
0x48: {  	_ =	shalt  }
0x49: {  	_ =	shalt  }
0x4a: {  	_ =	shalt  }
0x4b: {  	_ =	shalt  }
0x4c: {  	_ =	shalt  }
0x4d: {  	_ =	shalt  }
0x4e: {  	_ =	shalt  }
0x4f: {  	_ =	shalt  }
0x50: {  	_ =	shalt  }
0x51: {  	_ =	shalt  }
0x52: {  	_ =	shalt  }
0x53: {  	_ =	shalt  }
0x54: {  	_ =	shalt  }
0x55: {  	_ =	shalt  }
0x56: {  	_ =	shalt  }
0x57: {  	_ =	shalt  }
0x58: {  	_ =	shalt  }
0x59: {  	_ =	shalt  }
0x5a: {  	_ =	shalt  }
0x5b: {  	_ =	shalt  }
0x5c: {  	_ =	shalt  }
0x5d: {  	_ =	shalt  }
0x5e: {  	_ =	shalt  }
0x5f: {  	_ =	shalt  }
0x60: {  	_ =	shalt  }
0x61: {  	_ =	shalt  }
0x62: {  	_ =	shalt  }
0x63: {  	_ =	shalt  }
0x64: {  	_ =	shalt  }
0x65: {  	_ =	shalt  }
0x66: {  	_ =	shalt  }
0x67: {  	_ =	shalt  }
0x68: {  	_ =	shalt  }
0x69: {  	_ =	shalt  }
0x6a: {  	_ =	shalt  }
0x6b: {  	_ =	shalt  }
0x6c: {  	_ =	shalt  }
0x6d: {  	_ =	shalt  }
0x6e: {  	_ =	shalt  }
0x6f: {  	_ =	shalt  }
0x70: {  	_ =	shalt  }
0x71: {  	_ =	shalt  }
0x72: {  	_ =	shalt  }
0x73: {  	_ =	shalt  }
0x74: {  	_ =	shalt  }
0x75: {  	_ =	shalt  }
0x76: {  	_ =	shalt  }
0x77: {  	_ =	shalt  }
0x78: {  	_ =	shalt  }
0x79: {  	_ =	shalt  }
0x7a: {  	_ =	shalt  }
0x7b: {  	_ =	shalt  }
0x7c: {  	_ =	shalt  }
0x7d: {  	_ =	shalt  }
0x7e: {  	_ =	shalt  }
0x7f: {  	_ =	shalt  }
0x80: {  	_ =	shalt  }
0x81: {  	_ =	shalt  }
0x82: {  	_ =	shalt  }
0x83: {  	_ =	shalt  }
0x84: {  	_ =	shalt  }
0x85: {  	_ =	shalt  }
0x86: {  	_ =	shalt  }
0x87: {  	_ =	shalt  }
.Lfunc_end0:
.L_simem_size_0:
called_computation_lowered:
.L_overlay_start_0:
0x88: {  	s2 =	sld [smem:$0x3FD9]  }
0x89: {  	s3 =	sld [smem:$0x3FFE];
	_ =	sdelay $0x1  }
0x8a: {  	s1 =	srdreg.scid  }
0x8b: {  	s0 =	sand.u32 $0x1, s1  }
0x8c: {  	s17 =	sshll.u32 s0, $0xA;
	s2 =	sadd.s32 s3, s2  }
0x8d: {  	s2 =	sadd.s32 s2, s17  }
0x8e: {  	[smem:$0x3FC3] =	sst s2  }
0x8f: {  	_ = 	snop  }
0x90: {  	s2 =	sld [smem:$0x3FC9]  }
0x91: {  	s18 =	sld [smem:$0x3FD0];
	(tm) =	ssettm $0x1  }
0x92: {  	s4 =	sld [smem:$0x3FFB];
	_ =	sdelay $0x3  }
0x93: {  	_ =	strace s4  }
0x94: {  	s4 =	sld [smem:$0x3FFC];
	_ =	sdelay $0x3  }
0x95: {  	_ =	strace s4  }
0x96: {  	s4 =	sld [smem:$0x3FFD];
	_ =	sdelay $0x3  }
0x97: {  	_ =	strace s4  }
0x98: {  	_ =	strace $0x8FFFFFFF  }
0x99: {  	s19 =	sld [smem:$0x3FDB];
	_ =	sdelay $0x1  }
0x9a: {  	s5 =	simm.s32 $_scs_section_size  }
0x9b: {  	s6 =	simm.s32 $_size__tile_overlayer_lowered;
	s7 =	simm.s32 $_tile_overlayer_lowered  }
0x9c: {  	s22 =	simm.s32 $0x1BFF;
	s21 =	sshll.u32 s7, $0x1;
	s4 =	sadd.s32 s5, s19  }
0x9d: {  	s8 =	simm.s32 $0x0;
	s20 =	sshll.u32 s6, $0x1;
	s6 =	sadd.s32 s21, s4  }
0x9e: {  	[timem:s8], [sflag:s22] =	dma.local [hbm:s6], s20  }
0x9f: {  	_ =	swait.ge [sflag:s22], s20  }
0xa0: {  	s5 =	ssub.s32 $0x0, s20;
	[sflag:s22] =	ssyncset.done $0x0  }
0xa1: {  	[sflag:s22] =	ssyncadd.s32 s5;
	_ =	sdelay $0x1  }
0xa2: {  	s23 =	simm.s32 $0x1B8B  }
0xa3: {  	_ =	swait.ge [sflag:s23], $0x1  }
0xa4: {  	[sflag:s23] =	ssyncset.done $0x0  }
0xa5: {  	s25 =	simm.s32 $0x1B8E;
	s24 =	sld [smem:$0x3FFE];
	[sflag:s23] =	ssyncadd.s32 $0xFFFFFFFF  }
0xa6: {  	s26 =	simm.s32 $execute0_lowered;
	[smem:$0x3FD2] =	sst s25  }
0xa7: {  	s6 =	sshll.u32 s26, $0x1;
	_ =	strace $0x80000046;
	[dreg:$0x1] =	wrdreg $0xFFFFFFFF  }
0xa8: {  	s28 =	simm.s32 $_size_execute0_lowered;
	s4 =	sadd.s32 s4, s6;
	[dreg:$0x0] =	wrdreg $0x0  }
0xa9: {  	s6 =	sshll.u32 s28, $0x1;
	[dreg:$0x2] =	wrdreg s4  }
0xaa: {  	[dreg:$0x3] =	wrdreg s6  }
0xab: {  	[dreg:$0x4] =	wrdreg $0xC0  }
0xac: {  	_ =	task [dreg:s8], $0x5FFFF  }
0xad: {  	[dreg:$0x1] =	wrdreg $0xFFFFFFFF  }
0xae: {  	[dreg:$0x0] =	wrdreg $0x60  }
0xaf: {  	[dreg:$0x2] =	wrdreg s2  }
0xb0: {  	[dreg:$0x3] =	wrdreg s18  }
0xb1: {  	[dreg:$0x4] =	wrdreg s24  }
0xb2: {  	[dreg:$0x5] =	wrdreg $0xA8000  }
0xb3: {  	[dreg:$0x6] =	wrdreg $0x9  }
0xb4: {  	_ =	task.clear_ibuf [dreg:s8], $0x7FFFF;
	_ =	strace $0x90000046  }
0xb5: {  	s29 =	simm.s32 $0x9;
	_ =	strace $0x80000048  }
0xb6: {  	_ =	swait.ge [sflag:s29], $0x1  }
0xb7: {  	[sflag:s29] =	ssyncadd.s32 $0xFFFFFFFF  }
0xb8: {  	_ =	strace $0x90000048  }
0xb9: {  	_ =	sfence  }
0xba: {  	s30 =	sld [smem:$0x0];
	_ =	sdelay $0x2  }
0xbb: {  	s31 =	sshll.u32 s1, $0xD;
	s1 =	sshrl.u32 s1, $0x2  }
0xbc: {  	s3 =	sand.u32 $0x4000, s31;
	s1 =	sadd.s32 s1, s30  }
0xbd: {  	s0 =	sor.u32 s3, s0;
	s1 =	sshll.u32 s1, $0x11  }
0xbe: {  	s0 =	sor.u32 s1, s0  }
0xbf: {  	s0 =	sadd.s32 $0x8F2B, s0  }
0xc0: {  	[sflag:s0] =	ssyncadd.remote.s32 $0x1  }
0xc1: {  	_ =	sfence.sel $0xFFFF  }
0xc2: {  	[dreg:$0x0] =	wrdreg $0xFFFFFFFF;
	(pc) =	sbr.abs _section_cstart, $3  }
0xc3: {  	[dreg:$0x1] =	wrdreg $0xFFFFFFFF  }
0xc4: {  	_ =	task.clear_ibuf [dreg:s8], $0x2FFFF;
	_ =	strace $0x9FFFFFFF  }
0xc5: {  	(tm) =	ssettm $0x7FFFFFFF  }
tec
execute0_lowered:
.L_overlay_start_1:
0x0: {  	(tag) =	ssettag $0x1  }
0x1: {  	s0 =	rddreg [dreg:$0x0]  }
0x2: {  	s1 =	rddreg [dreg:$0x1]  }
0x3: {  	s2 =	rddreg [dreg:$0x2]  }
0x4: {  	s4 =	srdreg.scid;
	s3 =	rddreg [dreg:$0x3]  }
0x5: {  	s12 =	stileid.u32;
	s28 =	simm.s32 $0x180;
	s29 =	simm.s32 $0x8800  }
0x6: {  	s30 =	simm.s32 $0x1;
	s31 =	simm.s32 $0x2;
	s13 =	simm.s32 $0x0  }
0x7: {  	s5 =	sand.u32 $0x1, s4;
	s4 =	simm.s32 $0x0;
	s7 =	smul.u32 $0x13C00, s12  }
0x8: {  	s14 =	sshll.u32 s12, $0x1;
	s15 =	smul.u32 $0x4F000, s12;
	s11 =	sadd.s32 $0x1400, s2  }
0x9: {  	s20 =	sshll.u32 s12, $0x6;
	s12 =	simm.s32 $0x2780;
	s6 =	smul.u32 $0x13C000, s5  }
0xa: {  	[smem:$0x7FF] =	sst s4;
	s8 =	ssub.s32 $0x2, s5;
	s5 =	sor.u32 s5, s14  }
0xb: {  	_ =	strace $0x80000047;
	s9 =	sshrl.u32 s8, $0x1;
	s10 =	smul.u32 $0x5000, s5  }
0xc: {  	[dreg:$0x5] =	wrdreg s11;
	s16 =	sshrl.u32 s15, $0x2;
	s18 =	smul.u32 $0xA00, s5  }
0xd: {  	p0 =	seq.s32 s5, $0x1F;
	s11 =	simm.s32 $0x2700;
	s6 =	sadd.s32 s7, s6  }
0xe: {  	s9 =	ssub.s32 s8, s9;
	s19 =	sadd.s32 s16, s3;
	s7 =	sor.u32 $0x1C06, s20  }
0xf: {  	s20 =	simm.s32 $0x5;
	s6 =	sshrl.u32 s6, $0x3;
	s17 =	sshrl.u32 s10, $0x3  }
0x10: {  	s16 =	smax.u32 s9, $0x1;
	s2 =	sadd.s32 s6, s2;
	s6 =	sadd.s32 s1, s17  }
0x11: {  	s9 =	simm.s32 $0x2600;
	s1 =	sadd.s32 s18, s1;
	s21 =	sadd.s32 $0x13880, s6  }
0x12: {  	s10 =	simm.s32 $0x2680;
	s22 =	sadd.s32 $0x280, s1;
	[dreg:$0x6] =	wrdreg s21  }
0x13: {  	s17 =	sshrl.u32 s19, $0x3;
	s23 =	sadd.s32 $0x13B00, s1;
	[dreg:$0x7] =	wrdreg s22  }
0x14: {  	s18 =	simm.s32 $0x6;
	s24 =	sadd.s32 $0x500, s1;
	[dreg:$0x8] =	wrdreg s23  }
0x15: {  	s19 =	simm.s32 $0x1400;
	s25 =	sadd.s32 $0x13D80, s1;
	[dreg:$0x9] =	wrdreg s24  }
.Ltmp0:
0x16: {  	s26 =	sadd.s32 $0x780, s1;
	[dreg:$0xa] =	wrdreg s25;
	(pc) =	sbr.rel .LBB2_1-.Ltmp0, $4  }
0x17: {  	s1 =	sadd.s32 $0x14000, s1;
	s15 =	sadd.s32 $0x3C00, s2;
	[dreg:$0xb] =	wrdreg s26  }
0x18: {  	s2 =	simm.s32 $0x4;
	[dreg:$0xc] =	wrdreg s1;
	s21 =	simm.s32 $0x40  }
0x19: {  	s22 =	simm.s32 $0x2800;
	s23 =	simm.s32 $0x80;
	s24 =	simm.s32 $0x4800  }
0x1a: {  	s25 =	simm.s32 $0x100;
	s26 =	simm.s32 $0x6800;
	s1 =	simm.s32 $0x3  }
.LBB2_10:
0x1b: {  	[tilespmem:s29], [sflag:$0x4] =	stream.indirect.gather [hbm4b:s0+s21], $0x80, s5, s21, $0xb8;
	[tilespmem:$0x1E400] =	vst v63  }
0x1c: {  	_ =	swait.ge [sflag:s30], $0x2000  }
0x1d: {  	[sflag:s30] =	ssyncset.done $0x0  }
0x1e: {  	[sflag:s30] =	ssyncadd.s32 $0xFFFFE000  }
0x1f: {  	[spmem:s3] =	stream.indirect.scatter.add.f32 [tilespmem:s22], [sflag:$0x6], $0x80, s9, s21, $0xb8;
	[tilespmem:$0x1E400] =	vst v63  }
0x20: {  	_ =	swait.ge [sflag:s18], $0x2000  }
0x21: {  	[sflag:s18] =	ssyncset.done $0x0  }
0x22: {  	[sflag:s18] =	ssyncadd.s32 $0xFFFFE000  }
0x23: {  	_ =	swait.ge [sflag:s31], $0x2000  }
0x24: {  	[sflag:s31] =	ssyncset.done $0x0  }
0x25: {  	[sflag:s31] =	ssyncadd.s32 $0xFFFFE000  }
0x26: {  	[spmem:s3] =	stream.indirect.scatter.add.f32 [tilespmem:s24], [sflag:$0x6], $0x80, s10, s21, $0xb8;
	[tilespmem:$0x1E400] =	vst v63  }
0x27: {  	_ =	swait.ge [sflag:s18], $0x2000  }
0x28: {  	[sflag:s18] =	ssyncset.done $0x0  }
0x29: {  	[sflag:s18] =	ssyncadd.s32 $0xFFFFE000  }
0x2a: {  	_ =	swait.ge [sflag:s1], $0x2000  }
0x2b: {  	[sflag:s1] =	ssyncset.done $0x0  }
0x2c: {  	[sflag:s1] =	ssyncadd.s32 $0xFFFFE000  }
0x2d: {  	[spmem:s3] =	stream.indirect.scatter.add.f32 [tilespmem:s26], [sflag:$0x6], $0x80, s11, s21, $0xb8;
	[tilespmem:$0x1E400] =	vst v63  }
0x2e: {  	_ =	swait.ge [sflag:s18], $0x2000  }
0x2f: {  	[sflag:s18] =	ssyncset.done $0x0  }
0x30: {  	[sflag:s18] =	ssyncadd.s32 $0xFFFFE000  }
0x31: {  	_ =	swait.ge [sflag:s2], $0x2000  }
0x32: {  	[sflag:s2] =	ssyncset.done $0x0  }
0x33: {  	[sflag:s2] =	ssyncadd.s32 $0xFFFFE000  }
0x34: {  	[spmem:s3] =	stream.indirect.scatter.add.f32 [tilespmem:s29], [sflag:$0x6], $0x80, s12, s21, $0xb8;
	[tilespmem:$0x1E400] =	vst v63  }
0x35: {  	_ =	swait.ge [sflag:s18], $0x2000  }
0x36: {  	[sflag:s18] =	ssyncset.done $0x0  }
0x37: {  	[sflag:s18] =	ssyncadd.s32 $0xFFFFE000  }
.LBB2_11:
0x38: {  	s13 =	sadd.s32 $0x1, s13  }
0x39: {  	p1 =	sne.s32 s13, s16  }
.Ltmp1:
0x3a: {  	[bflag:$0x0] =	sbarrier.arrive $0xFFFF;
	(pc) =	sbr.rel @!p1 .LBB2_12-.Ltmp1, $4  }
0x3b: {  	[hbm:s15], [sflag:s7] =	dma.local [spmem:s17], $0x2780  }
0x3c: {  	_ =	swait.ge [sflag:s18], $0x2780  }
0x3d: {  	[sflag:s18] =	ssyncset.done $0x0  }
0x3e: {  	[sflag:s18] =	ssyncadd.s32 $0xFFFFD880  }
.LBB2_1:
0x3f: {  	s5 =	rddreg [dreg:$0x5]  }
0x40: {  	[spmem:s17], [sflag:s7] =	dma.local [hbm:s5], $0x2780  }
0x41: {  	_ =	swait.ge [sflag:s18], $0x2780  }
0x42: {  	[sflag:s18] =	ssyncset.done $0x0  }
0x43: {  	[sflag:s18] =	ssyncadd.s32 $0xFFFFD880  }
0x44: {  	[tilespmem:s4], [sflag:$0x5] =	stream.linear.gather [hbm4b:s6+s4], $0x1400, $0x38;
	[tilespmem:$0x1E400] =	vst v63  }
0x45: {  	s8 =	rddreg [dreg:$0x6]  }
0x46: {  	[tilespmem:s19], [sflag:$0x5] =	stream.linear.gather [hbm4b:s8+s4], $0x1400, $0x38;
	[tilespmem:$0x1E400] =	vst v63  }
0x47: {  	_ =	swait.ge [sflag:s20], $0x1400  }
0x48: {  	[sflag:s20] =	ssyncset.done $0x0  }
0x49: {  	[sflag:s20] =	ssyncadd.s32 $0xFFFFEC00  }
0x4a: {  	_ =	swait.ge [sflag:s20], $0x1400  }
0x4b: {  	[sflag:s20] =	ssyncset.done $0x0  }
0x4c: {  	[sflag:s20] =	ssyncadd.s32 $0xFFFFEC00  }
0x4d: {  	[bflag:$0x0] =	sbarrier.arrive $0xFFFF  }
0x4e: {  	[tilespmem:s22], [sflag:$0x1] =	stream.indirect.gather [hbm4b:s0+s21], $0x80, s4, s21, $0xb8;
	[tilespmem:$0x1E400] =	vst v63  }
0x4f: {  	_ = 	snop  }
0x50: {  	[tilespmem:s24], [sflag:$0x2] =	stream.indirect.gather [hbm4b:s0+s21], $0x80, s23, s21, $0xb8;
	[tilespmem:$0x1E400] =	vst v63  }
0x51: {  	_ = 	snop  }
0x52: {  	[tilespmem:s26], [sflag:$0x3] =	stream.indirect.gather [hbm4b:s0+s21], $0x80, s25, s21, $0xb8;
	[tilespmem:$0x1E400] =	vst v63  }
0x53: {  	_ = 	snop  }
0x54: {  	[tilespmem:s29], [sflag:$0x4] =	stream.indirect.gather [hbm4b:s0+s21], $0x80, s28, s21, $0xb8;
	[tilespmem:$0x1E400] =	vst v63  }
0x55: {  	_ =	swait.ge [sflag:s30], $0x2000  }
0x56: {  	[sflag:s30] =	ssyncset.done $0x0  }
0x57: {  	s14 =	simm.s32 $0x1400;
	[sflag:s30] =	ssyncadd.s32 $0xFFFFE000  }
0x58: {  	[spmem:s3] =	stream.indirect.scatter.add.f32 [tilespmem:s22], [sflag:$0x6], $0x80, s14, s21, $0xb8;
	[tilespmem:$0x1E400] =	vst v63  }
0x59: {  	_ =	swait.ge [sflag:s18], $0x2000  }
0x5a: {  	[sflag:s18] =	ssyncset.done $0x0  }
0x5b: {  	s8 =	simm.s32 $0x200;
	[sflag:s18] =	ssyncadd.s32 $0xFFFFE000  }
0x5c: {  	[tilespmem:s22], [sflag:$0x1] =	stream.indirect.gather [hbm4b:s0+s21], $0x80, s8, s21, $0xb8;
	[tilespmem:$0x1E400] =	vst v63  }
0x5d: {  	_ =	swait.ge [sflag:s31], $0x2000  }
0x5e: {  	[sflag:s31] =	ssyncset.done $0x0  }
0x5f: {  	s14 =	simm.s32 $0x1480;
	[sflag:s31] =	ssyncadd.s32 $0xFFFFE000  }
0x60: {  	[spmem:s3] =	stream.indirect.scatter.add.f32 [tilespmem:s24], [sflag:$0x6], $0x80, s14, s21, $0xb8;
	[tilespmem:$0x1E400] =	vst v63  }
0x61: {  	_ =	swait.ge [sflag:s18], $0x2000  }
0x62: {  	[sflag:s18] =	ssyncset.done $0x0  }
0x63: {  	s8 =	simm.s32 $0x280;
	[sflag:s18] =	ssyncadd.s32 $0xFFFFE000  }
0x64: {  	[tilespmem:s24], [sflag:$0x2] =	stream.indirect.gather [hbm4b:s0+s21], $0x80, s8, s21, $0xb8;
	[tilespmem:$0x1E400] =	vst v63  }
0x65: {  	_ =	swait.ge [sflag:s1], $0x2000  }
0x66: {  	[sflag:s1] =	ssyncset.done $0x0  }
0x67: {  	s14 =	simm.s32 $0x1500;
	[sflag:s1] =	ssyncadd.s32 $0xFFFFE000  }
0x68: {  	[spmem:s3] =	stream.indirect.scatter.add.f32 [tilespmem:s26], [sflag:$0x6], $0x80, s14, s21, $0xb8;
	[tilespmem:$0x1E400] =	vst v63  }
0x69: {  	_ =	swait.ge [sflag:s18], $0x2000  }
0x6a: {  	[sflag:s18] =	ssyncset.done $0x0  }
0x6b: {  	s8 =	simm.s32 $0x300;
	[sflag:s18] =	ssyncadd.s32 $0xFFFFE000  }
0x6c: {  	[tilespmem:s26], [sflag:$0x3] =	stream.indirect.gather [hbm4b:s0+s21], $0x80, s8, s21, $0xb8;
	[tilespmem:$0x1E400] =	vst v63  }
0x6d: {  	_ =	swait.ge [sflag:s2], $0x2000  }
0x6e: {  	[sflag:s2] =	ssyncset.done $0x0  }
0x6f: {  	s14 =	simm.s32 $0x1580;
	[sflag:s2] =	ssyncadd.s32 $0xFFFFE000  }
0x70: {  	[spmem:s3] =	stream.indirect.scatter.add.f32 [tilespmem:s29], [sflag:$0x6], $0x80, s14, s21, $0xb8;
	[tilespmem:$0x1E400] =	vst v63  }
0x71: {  	_ =	swait.ge [sflag:s18], $0x2000  }
0x72: {  	[sflag:s18] =	ssyncset.done $0x0  }
0x73: {  	s5 =	simm.s32 $0x380;
	s14 =	simm.s32 $0x800;
	[sflag:s18] =	ssyncadd.s32 $0xFFFFE000  }
.LBB2_2:
0x74: {  	[tilespmem:s29], [sflag:$0x4] =	stream.indirect.gather [hbm4b:s0+s21], $0x80, s5, s21, $0xb8;
	[tilespmem:$0x1E400] =	vst v63  }
0x75: {  	s5 =	smov.u32 s14  }
0x76: {  	p1 =	sne.s32 s14, $0x4000;
	s14 =	sadd.s32 $0x800, s14;
	_ =	swait.ge [sflag:s30], $0x2000  }
0x77: {  	s5 =	sshra.s32 s5, $0x2;
	[sflag:s30] =	ssyncset.done $0x0  }
0x78: {  	s8 =	sadd.s32 $0x1400, s5;
	[sflag:s30] =	ssyncadd.s32 $0xFFFFE000  }
0x79: {  	[spmem:s3] =	stream.indirect.scatter.add.f32 [tilespmem:s22], [sflag:$0x6], $0x80, s8, s21, $0xb8;
	[tilespmem:$0x1E400] =	vst v63  }
0x7a: {  	_ =	swait.ge [sflag:s18], $0x2000  }
0x7b: {  	[sflag:s18] =	ssyncset.done $0x0  }
0x7c: {  	s8 =	sadd.s32 $0x200, s5;
	[sflag:s18] =	ssyncadd.s32 $0xFFFFE000  }
0x7d: {  	[tilespmem:s22], [sflag:$0x1] =	stream.indirect.gather [hbm4b:s0+s21], $0x80, s8, s21, $0xb8;
	[tilespmem:$0x1E400] =	vst v63  }
0x7e: {  	_ =	swait.ge [sflag:s31], $0x2000  }
0x7f: {  	[sflag:s31] =	ssyncset.done $0x0  }
0x80: {  	s8 =	sadd.s32 $0x1480, s5;
	[sflag:s31] =	ssyncadd.s32 $0xFFFFE000  }
0x81: {  	[spmem:s3] =	stream.indirect.scatter.add.f32 [tilespmem:s24], [sflag:$0x6], $0x80, s8, s21, $0xb8;
	[tilespmem:$0x1E400] =	vst v63  }
0x82: {  	_ =	swait.ge [sflag:s18], $0x2000  }
0x83: {  	[sflag:s18] =	ssyncset.done $0x0  }
0x84: {  	s8 =	sadd.s32 $0x280, s5;
	[sflag:s18] =	ssyncadd.s32 $0xFFFFE000  }
0x85: {  	[tilespmem:s24], [sflag:$0x2] =	stream.indirect.gather [hbm4b:s0+s21], $0x80, s8, s21, $0xb8;
	[tilespmem:$0x1E400] =	vst v63  }
0x86: {  	_ =	swait.ge [sflag:s1], $0x2000  }
0x87: {  	[sflag:s1] =	ssyncset.done $0x0  }
0x88: {  	s8 =	sadd.s32 $0x1500, s5;
	[sflag:s1] =	ssyncadd.s32 $0xFFFFE000  }
0x89: {  	[spmem:s3] =	stream.indirect.scatter.add.f32 [tilespmem:s26], [sflag:$0x6], $0x80, s8, s21, $0xb8;
	[tilespmem:$0x1E400] =	vst v63  }
0x8a: {  	_ =	swait.ge [sflag:s18], $0x2000  }
0x8b: {  	[sflag:s18] =	ssyncset.done $0x0  }
0x8c: {  	s8 =	sadd.s32 $0x300, s5;
	[sflag:s18] =	ssyncadd.s32 $0xFFFFE000  }
0x8d: {  	[tilespmem:s26], [sflag:$0x3] =	stream.indirect.gather [hbm4b:s0+s21], $0x80, s8, s21, $0xb8;
	[tilespmem:$0x1E400] =	vst v63  }
0x8e: {  	_ =	swait.ge [sflag:s2], $0x2000  }
0x8f: {  	[sflag:s2] =	ssyncset.done $0x0  }
.Ltmp2:
0x90: {  	s8 =	sadd.s32 $0x1580, s5;
	[sflag:s2] =	ssyncadd.s32 $0xFFFFE000;
	(pc) =	sbr.rel @p1 .LBB2_2-.Ltmp2, $4  }
0x91: {  	[spmem:s3] =	stream.indirect.scatter.add.f32 [tilespmem:s29], [sflag:$0x6], $0x80, s8, s21, $0xb8;
	[tilespmem:$0x1E400] =	vst v63  }
0x92: {  	_ =	swait.ge [sflag:s18], $0x2000  }
0x93: {  	[sflag:s18] =	ssyncset.done $0x0  }
0x94: {  	s5 =	sadd.s32 $0x380, s5;
	[sflag:s18] =	ssyncadd.s32 $0xFFFFE000  }
0x95: {  	[tilespmem:s29], [sflag:$0x4] =	stream.indirect.gather [hbm4b:s0+s21], $0x80, s5, s21, $0xb8;
	[tilespmem:$0x1E400] =	vst v63  }
0x96: {  	_ =	swait.ge [sflag:s30], $0x2000  }
0x97: {  	[sflag:s30] =	ssyncset.done $0x0  }
0x98: {  	[sflag:s30] =	ssyncadd.s32 $0xFFFFE000  }
0x99: {  	[spmem:s3] =	stream.indirect.scatter.add.f32 [tilespmem:s22], [sflag:$0x6], $0x80, s9, s21, $0xb8;
	[tilespmem:$0x1E400] =	vst v63  }
0x9a: {  	_ =	swait.ge [sflag:s18], $0x2000  }
0x9b: {  	[sflag:s18] =	ssyncset.done $0x0  }
0x9c: {  	[sflag:s18] =	ssyncadd.s32 $0xFFFFE000  }
0x9d: {  	_ =	swait.ge [sflag:s31], $0x2000  }
0x9e: {  	[sflag:s31] =	ssyncset.done $0x0  }
0x9f: {  	[sflag:s31] =	ssyncadd.s32 $0xFFFFE000  }
0xa0: {  	[spmem:s3] =	stream.indirect.scatter.add.f32 [tilespmem:s24], [sflag:$0x6], $0x80, s10, s21, $0xb8;
	[tilespmem:$0x1E400] =	vst v63  }
0xa1: {  	_ =	swait.ge [sflag:s18], $0x2000  }
0xa2: {  	[sflag:s18] =	ssyncset.done $0x0  }
0xa3: {  	[sflag:s18] =	ssyncadd.s32 $0xFFFFE000  }
0xa4: {  	_ =	swait.ge [sflag:s1], $0x2000  }
0xa5: {  	[sflag:s1] =	ssyncset.done $0x0  }
0xa6: {  	[sflag:s1] =	ssyncadd.s32 $0xFFFFE000  }
0xa7: {  	[spmem:s3] =	stream.indirect.scatter.add.f32 [tilespmem:s26], [sflag:$0x6], $0x80, s11, s21, $0xb8;
	[tilespmem:$0x1E400] =	vst v63  }
0xa8: {  	_ =	swait.ge [sflag:s18], $0x2000  }
0xa9: {  	[sflag:s18] =	ssyncset.done $0x0  }
0xaa: {  	[sflag:s18] =	ssyncadd.s32 $0xFFFFE000  }
0xab: {  	_ =	swait.ge [sflag:s2], $0x2000  }
0xac: {  	[sflag:s2] =	ssyncset.done $0x0  }
.Ltmp3:
0xad: {  	[sflag:s2] =	ssyncadd.s32 $0xFFFFE000;
	(pc) =	sbr.rel @p0 .LBB2_11-.Ltmp3, $4  }
0xae: {  	[spmem:s3] =	stream.indirect.scatter.add.f32 [tilespmem:s29], [sflag:$0x6], $0x80, s12, s21, $0xb8;
	[tilespmem:$0x1E400] =	vst v63  }
0xaf: {  	_ =	swait.ge [sflag:s18], $0x2000  }
0xb0: {  	[sflag:s18] =	ssyncset.done $0x0  }
0xb1: {  	[sflag:s18] =	ssyncadd.s32 $0xFFFFE000  }
0xb2: {  	s5 =	simm.s32 $0x0;
	s8 =	rddreg [dreg:$0x7]  }
0xb3: {  	[tilespmem:s5], [sflag:$0x5] =	stream.linear.gather [hbm4b:s8+s5], $0x1400, $0x38;
	[tilespmem:$0x1E400] =	vst v63  }
0xb4: {  	s14 =	rddreg [dreg:$0x8]  }
0xb5: {  	[tilespmem:s19], [sflag:$0x5] =	stream.linear.gather [hbm4b:s14+s5], $0x1400, $0x38;
	[tilespmem:$0x1E400] =	vst v63  }
0xb6: {  	_ =	swait.ge [sflag:s20], $0x1400  }
0xb7: {  	[sflag:s20] =	ssyncset.done $0x0  }
0xb8: {  	[sflag:s20] =	ssyncadd.s32 $0xFFFFEC00  }
0xb9: {  	_ =	swait.ge [sflag:s20], $0x1400  }
0xba: {  	[sflag:s20] =	ssyncset.done $0x0  }
0xbb: {  	[sflag:s20] =	ssyncadd.s32 $0xFFFFEC00  }
0xbc: {  	[tilespmem:s22], [sflag:$0x1] =	stream.indirect.gather [hbm4b:s0+s21], $0x80, s5, s21, $0xb8;
	[tilespmem:$0x1E400] =	vst v63  }
0xbd: {  	_ = 	snop  }
0xbe: {  	[tilespmem:s24], [sflag:$0x2] =	stream.indirect.gather [hbm4b:s0+s21], $0x80, s23, s21, $0xb8;
	[tilespmem:$0x1E400] =	vst v63  }
0xbf: {  	_ = 	snop  }
0xc0: {  	[tilespmem:s26], [sflag:$0x3] =	stream.indirect.gather [hbm4b:s0+s21], $0x80, s25, s21, $0xb8;
	[tilespmem:$0x1E400] =	vst v63  }
0xc1: {  	_ = 	snop  }
0xc2: {  	[tilespmem:s29], [sflag:$0x4] =	stream.indirect.gather [hbm4b:s0+s21], $0x80, s28, s21, $0xb8;
	[tilespmem:$0x1E400] =	vst v63  }
0xc3: {  	_ =	swait.ge [sflag:s30], $0x2000  }
0xc4: {  	[sflag:s30] =	ssyncset.done $0x0  }
0xc5: {  	s14 =	simm.s32 $0x1400;
	[sflag:s30] =	ssyncadd.s32 $0xFFFFE000  }
0xc6: {  	[spmem:s3] =	stream.indirect.scatter.add.f32 [tilespmem:s22], [sflag:$0x6], $0x80, s14, s21, $0xb8;
	[tilespmem:$0x1E400] =	vst v63  }
0xc7: {  	_ =	swait.ge [sflag:s18], $0x2000  }
0xc8: {  	[sflag:s18] =	ssyncset.done $0x0  }
0xc9: {  	s8 =	simm.s32 $0x200;
	[sflag:s18] =	ssyncadd.s32 $0xFFFFE000  }
0xca: {  	[tilespmem:s22], [sflag:$0x1] =	stream.indirect.gather [hbm4b:s0+s21], $0x80, s8, s21, $0xb8;
	[tilespmem:$0x1E400] =	vst v63  }
0xcb: {  	_ =	swait.ge [sflag:s31], $0x2000  }
0xcc: {  	[sflag:s31] =	ssyncset.done $0x0  }
0xcd: {  	s14 =	simm.s32 $0x1480;
	[sflag:s31] =	ssyncadd.s32 $0xFFFFE000  }
0xce: {  	[spmem:s3] =	stream.indirect.scatter.add.f32 [tilespmem:s24], [sflag:$0x6], $0x80, s14, s21, $0xb8;
	[tilespmem:$0x1E400] =	vst v63  }
0xcf: {  	_ =	swait.ge [sflag:s18], $0x2000  }
0xd0: {  	[sflag:s18] =	ssyncset.done $0x0  }
0xd1: {  	s8 =	simm.s32 $0x280;
	[sflag:s18] =	ssyncadd.s32 $0xFFFFE000  }
0xd2: {  	[tilespmem:s24], [sflag:$0x2] =	stream.indirect.gather [hbm4b:s0+s21], $0x80, s8, s21, $0xb8;
	[tilespmem:$0x1E400] =	vst v63  }
0xd3: {  	_ =	swait.ge [sflag:s1], $0x2000  }
0xd4: {  	[sflag:s1] =	ssyncset.done $0x0  }
0xd5: {  	s14 =	simm.s32 $0x1500;
	[sflag:s1] =	ssyncadd.s32 $0xFFFFE000  }
0xd6: {  	[spmem:s3] =	stream.indirect.scatter.add.f32 [tilespmem:s26], [sflag:$0x6], $0x80, s14, s21, $0xb8;
	[tilespmem:$0x1E400] =	vst v63  }
0xd7: {  	_ =	swait.ge [sflag:s18], $0x2000  }
0xd8: {  	[sflag:s18] =	ssyncset.done $0x0  }
0xd9: {  	s8 =	simm.s32 $0x300;
	[sflag:s18] =	ssyncadd.s32 $0xFFFFE000  }
0xda: {  	[tilespmem:s26], [sflag:$0x3] =	stream.indirect.gather [hbm4b:s0+s21], $0x80, s8, s21, $0xb8;
	[tilespmem:$0x1E400] =	vst v63  }
0xdb: {  	_ =	swait.ge [sflag:s2], $0x2000  }
0xdc: {  	[sflag:s2] =	ssyncset.done $0x0  }
0xdd: {  	s14 =	simm.s32 $0x1580;
	[sflag:s2] =	ssyncadd.s32 $0xFFFFE000  }
0xde: {  	[spmem:s3] =	stream.indirect.scatter.add.f32 [tilespmem:s29], [sflag:$0x6], $0x80, s14, s21, $0xb8;
	[tilespmem:$0x1E400] =	vst v63  }
0xdf: {  	_ =	swait.ge [sflag:s18], $0x2000  }
0xe0: {  	[sflag:s18] =	ssyncset.done $0x0  }
0xe1: {  	s5 =	simm.s32 $0x380;
	s14 =	simm.s32 $0x800;
	[sflag:s18] =	ssyncadd.s32 $0xFFFFE000  }
.LBB2_5:
0xe2: {  	[tilespmem:s29], [sflag:$0x4] =	stream.indirect.gather [hbm4b:s0+s21], $0x80, s5, s21, $0xb8;
	[tilespmem:$0x1E400] =	vst v63  }
0xe3: {  	s5 =	smov.u32 s14  }
0xe4: {  	p1 =	sne.s32 s14, $0x4000;
	s14 =	sadd.s32 $0x800, s14;
	_ =	swait.ge [sflag:s30], $0x2000  }
0xe5: {  	s5 =	sshra.s32 s5, $0x2;
	[sflag:s30] =	ssyncset.done $0x0  }
0xe6: {  	s8 =	sadd.s32 $0x1400, s5;
	[sflag:s30] =	ssyncadd.s32 $0xFFFFE000  }
0xe7: {  	[spmem:s3] =	stream.indirect.scatter.add.f32 [tilespmem:s22], [sflag:$0x6], $0x80, s8, s21, $0xb8;
	[tilespmem:$0x1E400] =	vst v63  }
0xe8: {  	_ =	swait.ge [sflag:s18], $0x2000  }
0xe9: {  	[sflag:s18] =	ssyncset.done $0x0  }
0xea: {  	s8 =	sadd.s32 $0x200, s5;
	[sflag:s18] =	ssyncadd.s32 $0xFFFFE000  }
0xeb: {  	[tilespmem:s22], [sflag:$0x1] =	stream.indirect.gather [hbm4b:s0+s21], $0x80, s8, s21, $0xb8;
	[tilespmem:$0x1E400] =	vst v63  }
0xec: {  	_ =	swait.ge [sflag:s31], $0x2000  }
0xed: {  	[sflag:s31] =	ssyncset.done $0x0  }
0xee: {  	s8 =	sadd.s32 $0x1480, s5;
	[sflag:s31] =	ssyncadd.s32 $0xFFFFE000  }
0xef: {  	[spmem:s3] =	stream.indirect.scatter.add.f32 [tilespmem:s24], [sflag:$0x6], $0x80, s8, s21, $0xb8;
	[tilespmem:$0x1E400] =	vst v63  }
0xf0: {  	_ =	swait.ge [sflag:s18], $0x2000  }
0xf1: {  	[sflag:s18] =	ssyncset.done $0x0  }
0xf2: {  	s8 =	sadd.s32 $0x280, s5;
	[sflag:s18] =	ssyncadd.s32 $0xFFFFE000  }
0xf3: {  	[tilespmem:s24], [sflag:$0x2] =	stream.indirect.gather [hbm4b:s0+s21], $0x80, s8, s21, $0xb8;
	[tilespmem:$0x1E400] =	vst v63  }
0xf4: {  	_ =	swait.ge [sflag:s1], $0x2000  }
0xf5: {  	[sflag:s1] =	ssyncset.done $0x0  }
0xf6: {  	s8 =	sadd.s32 $0x1500, s5;
	[sflag:s1] =	ssyncadd.s32 $0xFFFFE000  }
0xf7: {  	[spmem:s3] =	stream.indirect.scatter.add.f32 [tilespmem:s26], [sflag:$0x6], $0x80, s8, s21, $0xb8;
	[tilespmem:$0x1E400] =	vst v63  }
0xf8: {  	_ =	swait.ge [sflag:s18], $0x2000  }
0xf9: {  	[sflag:s18] =	ssyncset.done $0x0  }
0xfa: {  	s8 =	sadd.s32 $0x300, s5;
	[sflag:s18] =	ssyncadd.s32 $0xFFFFE000  }
0xfb: {  	[tilespmem:s26], [sflag:$0x3] =	stream.indirect.gather [hbm4b:s0+s21], $0x80, s8, s21, $0xb8;
	[tilespmem:$0x1E400] =	vst v63  }
0xfc: {  	_ =	swait.ge [sflag:s2], $0x2000  }
0xfd: {  	[sflag:s2] =	ssyncset.done $0x0  }
.Ltmp4:
0xfe: {  	s8 =	sadd.s32 $0x1580, s5;
	[sflag:s2] =	ssyncadd.s32 $0xFFFFE000;
	(pc) =	sbr.rel @p1 .LBB2_5-.Ltmp4, $4  }
0xff: {  	[spmem:s3] =	stream.indirect.scatter.add.f32 [tilespmem:s29], [sflag:$0x6], $0x80, s8, s21, $0xb8;
	[tilespmem:$0x1E400] =	vst v63  }
0x100: {  	_ =	swait.ge [sflag:s18], $0x2000  }
0x101: {  	[sflag:s18] =	ssyncset.done $0x0  }
0x102: {  	s5 =	sadd.s32 $0x380, s5;
	[sflag:s18] =	ssyncadd.s32 $0xFFFFE000  }
0x103: {  	[tilespmem:s29], [sflag:$0x4] =	stream.indirect.gather [hbm4b:s0+s21], $0x80, s5, s21, $0xb8;
	[tilespmem:$0x1E400] =	vst v63  }
0x104: {  	_ =	swait.ge [sflag:s30], $0x2000  }
0x105: {  	[sflag:s30] =	ssyncset.done $0x0  }
0x106: {  	[sflag:s30] =	ssyncadd.s32 $0xFFFFE000  }
0x107: {  	[spmem:s3] =	stream.indirect.scatter.add.f32 [tilespmem:s22], [sflag:$0x6], $0x80, s9, s21, $0xb8;
	[tilespmem:$0x1E400] =	vst v63  }
0x108: {  	_ =	swait.ge [sflag:s18], $0x2000  }
0x109: {  	[sflag:s18] =	ssyncset.done $0x0  }
0x10a: {  	[sflag:s18] =	ssyncadd.s32 $0xFFFFE000  }
0x10b: {  	_ =	swait.ge [sflag:s31], $0x2000  }
0x10c: {  	[sflag:s31] =	ssyncset.done $0x0  }
0x10d: {  	[sflag:s31] =	ssyncadd.s32 $0xFFFFE000  }
0x10e: {  	[spmem:s3] =	stream.indirect.scatter.add.f32 [tilespmem:s24], [sflag:$0x6], $0x80, s10, s21, $0xb8;
	[tilespmem:$0x1E400] =	vst v63  }
0x10f: {  	_ =	swait.ge [sflag:s18], $0x2000  }
0x110: {  	[sflag:s18] =	ssyncset.done $0x0  }
0x111: {  	[sflag:s18] =	ssyncadd.s32 $0xFFFFE000  }
0x112: {  	_ =	swait.ge [sflag:s1], $0x2000  }
0x113: {  	[sflag:s1] =	ssyncset.done $0x0  }
0x114: {  	[sflag:s1] =	ssyncadd.s32 $0xFFFFE000  }
0x115: {  	[spmem:s3] =	stream.indirect.scatter.add.f32 [tilespmem:s26], [sflag:$0x6], $0x80, s11, s21, $0xb8;
	[tilespmem:$0x1E400] =	vst v63  }
0x116: {  	_ =	swait.ge [sflag:s18], $0x2000  }
0x117: {  	[sflag:s18] =	ssyncset.done $0x0  }
0x118: {  	[sflag:s18] =	ssyncadd.s32 $0xFFFFE000  }
0x119: {  	_ =	swait.ge [sflag:s2], $0x2000  }
0x11a: {  	[sflag:s2] =	ssyncset.done $0x0  }
0x11b: {  	[sflag:s2] =	ssyncadd.s32 $0xFFFFE000  }
0x11c: {  	[spmem:s3] =	stream.indirect.scatter.add.f32 [tilespmem:s29], [sflag:$0x6], $0x80, s12, s21, $0xb8;
	[tilespmem:$0x1E400] =	vst v63  }
0x11d: {  	_ =	swait.ge [sflag:s18], $0x2000  }
0x11e: {  	[sflag:s18] =	ssyncset.done $0x0  }
0x11f: {  	s5 =	simm.s32 $0x0;
	s8 =	rddreg [dreg:$0x9];
	[sflag:s18] =	ssyncadd.s32 $0xFFFFE000  }
0x120: {  	[tilespmem:s5], [sflag:$0x5] =	stream.linear.gather [hbm4b:s8+s5], $0x1400, $0x38;
	[tilespmem:$0x1E400] =	vst v63  }
0x121: {  	s14 =	rddreg [dreg:$0xa]  }
0x122: {  	[tilespmem:s19], [sflag:$0x5] =	stream.linear.gather [hbm4b:s14+s5], $0x1400, $0x38;
	[tilespmem:$0x1E400] =	vst v63  }
0x123: {  	_ =	swait.ge [sflag:s20], $0x1400  }
0x124: {  	[sflag:s20] =	ssyncset.done $0x0  }
0x125: {  	[sflag:s20] =	ssyncadd.s32 $0xFFFFEC00  }
0x126: {  	_ =	swait.ge [sflag:s20], $0x1400  }
0x127: {  	[sflag:s20] =	ssyncset.done $0x0  }
0x128: {  	[sflag:s20] =	ssyncadd.s32 $0xFFFFEC00  }
0x129: {  	[tilespmem:s22], [sflag:$0x1] =	stream.indirect.gather [hbm4b:s0+s21], $0x80, s5, s21, $0xb8;
	[tilespmem:$0x1E400] =	vst v63  }
0x12a: {  	_ = 	snop  }
0x12b: {  	[tilespmem:s24], [sflag:$0x2] =	stream.indirect.gather [hbm4b:s0+s21], $0x80, s23, s21, $0xb8;
	[tilespmem:$0x1E400] =	vst v63  }
0x12c: {  	_ = 	snop  }
0x12d: {  	[tilespmem:s26], [sflag:$0x3] =	stream.indirect.gather [hbm4b:s0+s21], $0x80, s25, s21, $0xb8;
	[tilespmem:$0x1E400] =	vst v63  }
0x12e: {  	_ = 	snop  }
0x12f: {  	[tilespmem:s29], [sflag:$0x4] =	stream.indirect.gather [hbm4b:s0+s21], $0x80, s28, s21, $0xb8;
	[tilespmem:$0x1E400] =	vst v63  }
0x130: {  	_ =	swait.ge [sflag:s30], $0x2000  }
0x131: {  	[sflag:s30] =	ssyncset.done $0x0  }
0x132: {  	s14 =	simm.s32 $0x1400;
	[sflag:s30] =	ssyncadd.s32 $0xFFFFE000  }
0x133: {  	[spmem:s3] =	stream.indirect.scatter.add.f32 [tilespmem:s22], [sflag:$0x6], $0x80, s14, s21, $0xb8;
	[tilespmem:$0x1E400] =	vst v63  }
0x134: {  	_ =	swait.ge [sflag:s18], $0x2000  }
0x135: {  	[sflag:s18] =	ssyncset.done $0x0  }
0x136: {  	s8 =	simm.s32 $0x200;
	[sflag:s18] =	ssyncadd.s32 $0xFFFFE000  }
0x137: {  	[tilespmem:s22], [sflag:$0x1] =	stream.indirect.gather [hbm4b:s0+s21], $0x80, s8, s21, $0xb8;
	[tilespmem:$0x1E400] =	vst v63  }
0x138: {  	_ =	swait.ge [sflag:s31], $0x2000  }
0x139: {  	[sflag:s31] =	ssyncset.done $0x0  }
0x13a: {  	s14 =	simm.s32 $0x1480;
	[sflag:s31] =	ssyncadd.s32 $0xFFFFE000  }
0x13b: {  	[spmem:s3] =	stream.indirect.scatter.add.f32 [tilespmem:s24], [sflag:$0x6], $0x80, s14, s21, $0xb8;
	[tilespmem:$0x1E400] =	vst v63  }
0x13c: {  	_ =	swait.ge [sflag:s18], $0x2000  }
0x13d: {  	[sflag:s18] =	ssyncset.done $0x0  }
0x13e: {  	s8 =	simm.s32 $0x280;
	[sflag:s18] =	ssyncadd.s32 $0xFFFFE000  }
0x13f: {  	[tilespmem:s24], [sflag:$0x2] =	stream.indirect.gather [hbm4b:s0+s21], $0x80, s8, s21, $0xb8;
	[tilespmem:$0x1E400] =	vst v63  }
0x140: {  	_ =	swait.ge [sflag:s1], $0x2000  }
0x141: {  	[sflag:s1] =	ssyncset.done $0x0  }
0x142: {  	s14 =	simm.s32 $0x1500;
	[sflag:s1] =	ssyncadd.s32 $0xFFFFE000  }
0x143: {  	[spmem:s3] =	stream.indirect.scatter.add.f32 [tilespmem:s26], [sflag:$0x6], $0x80, s14, s21, $0xb8;
	[tilespmem:$0x1E400] =	vst v63  }
0x144: {  	_ =	swait.ge [sflag:s18], $0x2000  }
0x145: {  	[sflag:s18] =	ssyncset.done $0x0  }
0x146: {  	s8 =	simm.s32 $0x300;
	[sflag:s18] =	ssyncadd.s32 $0xFFFFE000  }
0x147: {  	[tilespmem:s26], [sflag:$0x3] =	stream.indirect.gather [hbm4b:s0+s21], $0x80, s8, s21, $0xb8;
	[tilespmem:$0x1E400] =	vst v63  }
0x148: {  	_ =	swait.ge [sflag:s2], $0x2000  }
0x149: {  	[sflag:s2] =	ssyncset.done $0x0  }
0x14a: {  	s14 =	simm.s32 $0x1580;
	[sflag:s2] =	ssyncadd.s32 $0xFFFFE000  }
0x14b: {  	[spmem:s3] =	stream.indirect.scatter.add.f32 [tilespmem:s29], [sflag:$0x6], $0x80, s14, s21, $0xb8;
	[tilespmem:$0x1E400] =	vst v63  }
0x14c: {  	_ =	swait.ge [sflag:s18], $0x2000  }
0x14d: {  	[sflag:s18] =	ssyncset.done $0x0  }
0x14e: {  	s5 =	simm.s32 $0x380;
	s14 =	simm.s32 $0x800;
	[sflag:s18] =	ssyncadd.s32 $0xFFFFE000  }
.LBB2_7:
0x14f: {  	[tilespmem:s29], [sflag:$0x4] =	stream.indirect.gather [hbm4b:s0+s21], $0x80, s5, s21, $0xb8;
	[tilespmem:$0x1E400] =	vst v63  }
0x150: {  	s5 =	smov.u32 s14  }
0x151: {  	p1 =	sne.s32 s14, $0x4000;
	s14 =	sadd.s32 $0x800, s14;
	_ =	swait.ge [sflag:s30], $0x2000  }
0x152: {  	s5 =	sshra.s32 s5, $0x2;
	[sflag:s30] =	ssyncset.done $0x0  }
0x153: {  	s8 =	sadd.s32 $0x1400, s5;
	[sflag:s30] =	ssyncadd.s32 $0xFFFFE000  }
0x154: {  	[spmem:s3] =	stream.indirect.scatter.add.f32 [tilespmem:s22], [sflag:$0x6], $0x80, s8, s21, $0xb8;
	[tilespmem:$0x1E400] =	vst v63  }
0x155: {  	_ =	swait.ge [sflag:s18], $0x2000  }
0x156: {  	[sflag:s18] =	ssyncset.done $0x0  }
0x157: {  	s8 =	sadd.s32 $0x200, s5;
	[sflag:s18] =	ssyncadd.s32 $0xFFFFE000  }
0x158: {  	[tilespmem:s22], [sflag:$0x1] =	stream.indirect.gather [hbm4b:s0+s21], $0x80, s8, s21, $0xb8;
	[tilespmem:$0x1E400] =	vst v63  }
0x159: {  	_ =	swait.ge [sflag:s31], $0x2000  }
0x15a: {  	[sflag:s31] =	ssyncset.done $0x0  }
0x15b: {  	s8 =	sadd.s32 $0x1480, s5;
	[sflag:s31] =	ssyncadd.s32 $0xFFFFE000  }
0x15c: {  	[spmem:s3] =	stream.indirect.scatter.add.f32 [tilespmem:s24], [sflag:$0x6], $0x80, s8, s21, $0xb8;
	[tilespmem:$0x1E400] =	vst v63  }
0x15d: {  	_ =	swait.ge [sflag:s18], $0x2000  }
0x15e: {  	[sflag:s18] =	ssyncset.done $0x0  }
0x15f: {  	s8 =	sadd.s32 $0x280, s5;
	[sflag:s18] =	ssyncadd.s32 $0xFFFFE000  }
0x160: {  	[tilespmem:s24], [sflag:$0x2] =	stream.indirect.gather [hbm4b:s0+s21], $0x80, s8, s21, $0xb8;
	[tilespmem:$0x1E400] =	vst v63  }
0x161: {  	_ =	swait.ge [sflag:s1], $0x2000  }
0x162: {  	[sflag:s1] =	ssyncset.done $0x0  }
0x163: {  	s8 =	sadd.s32 $0x1500, s5;
	[sflag:s1] =	ssyncadd.s32 $0xFFFFE000  }
0x164: {  	[spmem:s3] =	stream.indirect.scatter.add.f32 [tilespmem:s26], [sflag:$0x6], $0x80, s8, s21, $0xb8;
	[tilespmem:$0x1E400] =	vst v63  }
0x165: {  	_ =	swait.ge [sflag:s18], $0x2000  }
0x166: {  	[sflag:s18] =	ssyncset.done $0x0  }
0x167: {  	s8 =	sadd.s32 $0x300, s5;
	[sflag:s18] =	ssyncadd.s32 $0xFFFFE000  }
0x168: {  	[tilespmem:s26], [sflag:$0x3] =	stream.indirect.gather [hbm4b:s0+s21], $0x80, s8, s21, $0xb8;
	[tilespmem:$0x1E400] =	vst v63  }
0x169: {  	_ =	swait.ge [sflag:s2], $0x2000  }
0x16a: {  	[sflag:s2] =	ssyncset.done $0x0  }
.Ltmp5:
0x16b: {  	s8 =	sadd.s32 $0x1580, s5;
	[sflag:s2] =	ssyncadd.s32 $0xFFFFE000;
	(pc) =	sbr.rel @p1 .LBB2_7-.Ltmp5, $4  }
0x16c: {  	[spmem:s3] =	stream.indirect.scatter.add.f32 [tilespmem:s29], [sflag:$0x6], $0x80, s8, s21, $0xb8;
	[tilespmem:$0x1E400] =	vst v63  }
0x16d: {  	_ =	swait.ge [sflag:s18], $0x2000  }
0x16e: {  	[sflag:s18] =	ssyncset.done $0x0  }
0x16f: {  	s5 =	sadd.s32 $0x380, s5;
	[sflag:s18] =	ssyncadd.s32 $0xFFFFE000  }
0x170: {  	[tilespmem:s29], [sflag:$0x4] =	stream.indirect.gather [hbm4b:s0+s21], $0x80, s5, s21, $0xb8;
	[tilespmem:$0x1E400] =	vst v63  }
0x171: {  	_ =	swait.ge [sflag:s30], $0x2000  }
0x172: {  	[sflag:s30] =	ssyncset.done $0x0  }
0x173: {  	[sflag:s30] =	ssyncadd.s32 $0xFFFFE000  }
0x174: {  	[spmem:s3] =	stream.indirect.scatter.add.f32 [tilespmem:s22], [sflag:$0x6], $0x80, s9, s21, $0xb8;
	[tilespmem:$0x1E400] =	vst v63  }
0x175: {  	_ =	swait.ge [sflag:s18], $0x2000  }
0x176: {  	[sflag:s18] =	ssyncset.done $0x0  }
0x177: {  	[sflag:s18] =	ssyncadd.s32 $0xFFFFE000  }
0x178: {  	_ =	swait.ge [sflag:s31], $0x2000  }
0x179: {  	[sflag:s31] =	ssyncset.done $0x0  }
0x17a: {  	[sflag:s31] =	ssyncadd.s32 $0xFFFFE000  }
0x17b: {  	[spmem:s3] =	stream.indirect.scatter.add.f32 [tilespmem:s24], [sflag:$0x6], $0x80, s10, s21, $0xb8;
	[tilespmem:$0x1E400] =	vst v63  }
0x17c: {  	_ =	swait.ge [sflag:s18], $0x2000  }
0x17d: {  	[sflag:s18] =	ssyncset.done $0x0  }
0x17e: {  	[sflag:s18] =	ssyncadd.s32 $0xFFFFE000  }
0x17f: {  	_ =	swait.ge [sflag:s1], $0x2000  }
0x180: {  	[sflag:s1] =	ssyncset.done $0x0  }
0x181: {  	[sflag:s1] =	ssyncadd.s32 $0xFFFFE000  }
0x182: {  	[spmem:s3] =	stream.indirect.scatter.add.f32 [tilespmem:s26], [sflag:$0x6], $0x80, s11, s21, $0xb8;
	[tilespmem:$0x1E400] =	vst v63  }
0x183: {  	_ =	swait.ge [sflag:s18], $0x2000  }
0x184: {  	[sflag:s18] =	ssyncset.done $0x0  }
0x185: {  	[sflag:s18] =	ssyncadd.s32 $0xFFFFE000  }
0x186: {  	_ =	swait.ge [sflag:s2], $0x2000  }
0x187: {  	[sflag:s2] =	ssyncset.done $0x0  }
0x188: {  	[sflag:s2] =	ssyncadd.s32 $0xFFFFE000  }
0x189: {  	[spmem:s3] =	stream.indirect.scatter.add.f32 [tilespmem:s29], [sflag:$0x6], $0x80, s12, s21, $0xb8;
	[tilespmem:$0x1E400] =	vst v63  }
0x18a: {  	_ =	swait.ge [sflag:s18], $0x2000  }
0x18b: {  	[sflag:s18] =	ssyncset.done $0x0  }
0x18c: {  	s5 =	simm.s32 $0x0;
	s8 =	rddreg [dreg:$0xb];
	[sflag:s18] =	ssyncadd.s32 $0xFFFFE000  }
0x18d: {  	[tilespmem:s5], [sflag:$0x5] =	stream.linear.gather [hbm4b:s8+s5], $0x1400, $0x38;
	[tilespmem:$0x1E400] =	vst v63  }
0x18e: {  	s14 =	rddreg [dreg:$0xc]  }
0x18f: {  	[tilespmem:s19], [sflag:$0x5] =	stream.linear.gather [hbm4b:s14+s5], $0x1400, $0x38;
	[tilespmem:$0x1E400] =	vst v63  }
0x190: {  	_ =	swait.ge [sflag:s20], $0x1400  }
0x191: {  	[sflag:s20] =	ssyncset.done $0x0  }
0x192: {  	[sflag:s20] =	ssyncadd.s32 $0xFFFFEC00  }
0x193: {  	_ =	swait.ge [sflag:s20], $0x1400  }
0x194: {  	[sflag:s20] =	ssyncset.done $0x0  }
0x195: {  	[sflag:s20] =	ssyncadd.s32 $0xFFFFEC00  }
0x196: {  	[tilespmem:s22], [sflag:$0x1] =	stream.indirect.gather [hbm4b:s0+s21], $0x80, s5, s21, $0xb8;
	[tilespmem:$0x1E400] =	vst v63  }
0x197: {  	_ = 	snop  }
0x198: {  	[tilespmem:s24], [sflag:$0x2] =	stream.indirect.gather [hbm4b:s0+s21], $0x80, s23, s21, $0xb8;
	[tilespmem:$0x1E400] =	vst v63  }
0x199: {  	_ = 	snop  }
0x19a: {  	[tilespmem:s26], [sflag:$0x3] =	stream.indirect.gather [hbm4b:s0+s21], $0x80, s25, s21, $0xb8;
	[tilespmem:$0x1E400] =	vst v63  }
0x19b: {  	_ = 	snop  }
0x19c: {  	[tilespmem:s29], [sflag:$0x4] =	stream.indirect.gather [hbm4b:s0+s21], $0x80, s28, s21, $0xb8;
	[tilespmem:$0x1E400] =	vst v63  }
0x19d: {  	_ =	swait.ge [sflag:s30], $0x2000  }
0x19e: {  	[sflag:s30] =	ssyncset.done $0x0  }
0x19f: {  	s14 =	simm.s32 $0x1400;
	[sflag:s30] =	ssyncadd.s32 $0xFFFFE000  }
0x1a0: {  	[spmem:s3] =	stream.indirect.scatter.add.f32 [tilespmem:s22], [sflag:$0x6], $0x80, s14, s21, $0xb8;
	[tilespmem:$0x1E400] =	vst v63  }
0x1a1: {  	_ =	swait.ge [sflag:s18], $0x2000  }
0x1a2: {  	[sflag:s18] =	ssyncset.done $0x0  }
0x1a3: {  	s8 =	simm.s32 $0x200;
	[sflag:s18] =	ssyncadd.s32 $0xFFFFE000  }
0x1a4: {  	[tilespmem:s22], [sflag:$0x1] =	stream.indirect.gather [hbm4b:s0+s21], $0x80, s8, s21, $0xb8;
	[tilespmem:$0x1E400] =	vst v63  }
0x1a5: {  	_ =	swait.ge [sflag:s31], $0x2000  }
0x1a6: {  	[sflag:s31] =	ssyncset.done $0x0  }
0x1a7: {  	s14 =	simm.s32 $0x1480;
	[sflag:s31] =	ssyncadd.s32 $0xFFFFE000  }
0x1a8: {  	[spmem:s3] =	stream.indirect.scatter.add.f32 [tilespmem:s24], [sflag:$0x6], $0x80, s14, s21, $0xb8;
	[tilespmem:$0x1E400] =	vst v63  }
0x1a9: {  	_ =	swait.ge [sflag:s18], $0x2000  }
0x1aa: {  	[sflag:s18] =	ssyncset.done $0x0  }
0x1ab: {  	s8 =	simm.s32 $0x280;
	[sflag:s18] =	ssyncadd.s32 $0xFFFFE000  }
0x1ac: {  	[tilespmem:s24], [sflag:$0x2] =	stream.indirect.gather [hbm4b:s0+s21], $0x80, s8, s21, $0xb8;
	[tilespmem:$0x1E400] =	vst v63  }
0x1ad: {  	_ =	swait.ge [sflag:s1], $0x2000  }
0x1ae: {  	[sflag:s1] =	ssyncset.done $0x0  }
0x1af: {  	s14 =	simm.s32 $0x1500;
	[sflag:s1] =	ssyncadd.s32 $0xFFFFE000  }
0x1b0: {  	[spmem:s3] =	stream.indirect.scatter.add.f32 [tilespmem:s26], [sflag:$0x6], $0x80, s14, s21, $0xb8;
	[tilespmem:$0x1E400] =	vst v63  }
0x1b1: {  	_ =	swait.ge [sflag:s18], $0x2000  }
0x1b2: {  	[sflag:s18] =	ssyncset.done $0x0  }
0x1b3: {  	s8 =	simm.s32 $0x300;
	[sflag:s18] =	ssyncadd.s32 $0xFFFFE000  }
0x1b4: {  	[tilespmem:s26], [sflag:$0x3] =	stream.indirect.gather [hbm4b:s0+s21], $0x80, s8, s21, $0xb8;
	[tilespmem:$0x1E400] =	vst v63  }
0x1b5: {  	_ =	swait.ge [sflag:s2], $0x2000  }
0x1b6: {  	[sflag:s2] =	ssyncset.done $0x0  }
0x1b7: {  	s14 =	simm.s32 $0x1580;
	[sflag:s2] =	ssyncadd.s32 $0xFFFFE000  }
0x1b8: {  	[spmem:s3] =	stream.indirect.scatter.add.f32 [tilespmem:s29], [sflag:$0x6], $0x80, s14, s21, $0xb8;
	[tilespmem:$0x1E400] =	vst v63  }
0x1b9: {  	_ =	swait.ge [sflag:s18], $0x2000  }
0x1ba: {  	[sflag:s18] =	ssyncset.done $0x0  }
0x1bb: {  	s5 =	simm.s32 $0x380;
	s14 =	simm.s32 $0x800;
	[sflag:s18] =	ssyncadd.s32 $0xFFFFE000  }
.LBB2_9:
0x1bc: {  	[tilespmem:s29], [sflag:$0x4] =	stream.indirect.gather [hbm4b:s0+s21], $0x80, s5, s21, $0xb8;
	[tilespmem:$0x1E400] =	vst v63  }
0x1bd: {  	s5 =	smov.u32 s14  }
0x1be: {  	p1 =	sne.s32 s14, $0x4000;
	s14 =	sadd.s32 $0x800, s14;
	_ =	swait.ge [sflag:s30], $0x2000  }
0x1bf: {  	s5 =	sshra.s32 s5, $0x2;
	[sflag:s30] =	ssyncset.done $0x0  }
0x1c0: {  	s8 =	sadd.s32 $0x1400, s5;
	[sflag:s30] =	ssyncadd.s32 $0xFFFFE000  }
0x1c1: {  	[spmem:s3] =	stream.indirect.scatter.add.f32 [tilespmem:s22], [sflag:$0x6], $0x80, s8, s21, $0xb8;
	[tilespmem:$0x1E400] =	vst v63  }
0x1c2: {  	_ =	swait.ge [sflag:s18], $0x2000  }
0x1c3: {  	[sflag:s18] =	ssyncset.done $0x0  }
0x1c4: {  	s8 =	sadd.s32 $0x200, s5;
	[sflag:s18] =	ssyncadd.s32 $0xFFFFE000  }
0x1c5: {  	[tilespmem:s22], [sflag:$0x1] =	stream.indirect.gather [hbm4b:s0+s21], $0x80, s8, s21, $0xb8;
	[tilespmem:$0x1E400] =	vst v63  }
0x1c6: {  	_ =	swait.ge [sflag:s31], $0x2000  }
0x1c7: {  	[sflag:s31] =	ssyncset.done $0x0  }
0x1c8: {  	s8 =	sadd.s32 $0x1480, s5;
	[sflag:s31] =	ssyncadd.s32 $0xFFFFE000  }
0x1c9: {  	[spmem:s3] =	stream.indirect.scatter.add.f32 [tilespmem:s24], [sflag:$0x6], $0x80, s8, s21, $0xb8;
	[tilespmem:$0x1E400] =	vst v63  }
0x1ca: {  	_ =	swait.ge [sflag:s18], $0x2000  }
0x1cb: {  	[sflag:s18] =	ssyncset.done $0x0  }
0x1cc: {  	s8 =	sadd.s32 $0x280, s5;
	[sflag:s18] =	ssyncadd.s32 $0xFFFFE000  }
0x1cd: {  	[tilespmem:s24], [sflag:$0x2] =	stream.indirect.gather [hbm4b:s0+s21], $0x80, s8, s21, $0xb8;
	[tilespmem:$0x1E400] =	vst v63  }
0x1ce: {  	_ =	swait.ge [sflag:s1], $0x2000  }
0x1cf: {  	[sflag:s1] =	ssyncset.done $0x0  }
0x1d0: {  	s8 =	sadd.s32 $0x1500, s5;
	[sflag:s1] =	ssyncadd.s32 $0xFFFFE000  }
0x1d1: {  	[spmem:s3] =	stream.indirect.scatter.add.f32 [tilespmem:s26], [sflag:$0x6], $0x80, s8, s21, $0xb8;
	[tilespmem:$0x1E400] =	vst v63  }
0x1d2: {  	_ =	swait.ge [sflag:s18], $0x2000  }
0x1d3: {  	[sflag:s18] =	ssyncset.done $0x0  }
0x1d4: {  	s8 =	sadd.s32 $0x300, s5;
	[sflag:s18] =	ssyncadd.s32 $0xFFFFE000  }
0x1d5: {  	[tilespmem:s26], [sflag:$0x3] =	stream.indirect.gather [hbm4b:s0+s21], $0x80, s8, s21, $0xb8;
	[tilespmem:$0x1E400] =	vst v63  }
0x1d6: {  	_ =	swait.ge [sflag:s2], $0x2000  }
0x1d7: {  	[sflag:s2] =	ssyncset.done $0x0  }
.Ltmp6:
0x1d8: {  	s8 =	sadd.s32 $0x1580, s5;
	[sflag:s2] =	ssyncadd.s32 $0xFFFFE000;
	(pc) =	sbr.rel @p1 .LBB2_9-.Ltmp6, $4  }
0x1d9: {  	[spmem:s3] =	stream.indirect.scatter.add.f32 [tilespmem:s29], [sflag:$0x6], $0x80, s8, s21, $0xb8;
	[tilespmem:$0x1E400] =	vst v63  }
0x1da: {  	_ =	swait.ge [sflag:s18], $0x2000  }
0x1db: {  	[sflag:s18] =	ssyncset.done $0x0  }
0x1dc: {  	s5 =	sadd.s32 $0x380, s5;
	[sflag:s18] =	ssyncadd.s32 $0xFFFFE000  }
.Ltmp7:
0x1dd: {  	_ = 	snop;
	(pc) =	sbr.rel .LBB2_10-.Ltmp7, $1  }
0x1de: {  	_ =	sdelay $0x3  }
.LBB2_12:
0x1df: {  	_ =	sfence.sel $0x180000  }
0x1e0: {  	[bflag:$0x0] =	sbarrier.arrive $0xFFFF  }
0x1e1: {  	_ =	strace $0x90000047  }
0x1e2: {  	s0 =	stileid.u32;
	[bflag:$0x2] =	sbarrier.arrive $0xFFFF  }
0x1e3: {  	p0 =	sne.s32 s0, $0x0;
	s0 =	rddreg [dreg:$0x4]  }
0x1e4: {  	s0 =	sadd.s32 @!p0 $0x100000, s0  }
0x1e5: {  	[sflag:s0] =	ssyncadd.tile.s32 @!p0 $0x1;
	_ =	shalt  }
.Lfunc_end2:
_tile_overlayer_lowered:
.L_overlay_start_2:
0x1e6: {  	(tag) =	ssettag $0x2  }
0x1e7: {  	s0 =	rddreg [dreg:$0x0];
	s2 =	stileid.u32  }
0x1e8: {  	s1 =	rddreg [dreg:$0x1];
	p0 =	sne.s32 s2, $0x0  }
0x1e9: {  	s3 =	rddreg [dreg:$0x2];
	[bflag:$0x3] =	sbarrier.arrive $0xFFFF;
	s2 =	simm.s32 @!p0 $0x1C06  }
0x1ea: {  	[timem:s3], [sflag:s2] =	dma.local @!p0 [hbm:s0], s1  }
0x1eb: {  	s0 =	simm.s32 @!p0 $0x6  }
0x1ec: {  	_ =	swait.ge @!p0 [sflag:s0], s1  }
0x1ed: {  	s1 =	ssub.s32 @!p0 $0x0, s1;
	[sflag:s0] =	ssyncset.done @!p0 $0x0  }
0x1ee: {  	[sflag:s0] =	ssyncadd.s32 @!p0 s1  }
0x1ef: {  	[bflag:$0x3] =	sbarrier.arrive $0xFFFF  }
0x1f0: {  	_ =	shalt  }

</sc_bundles>
